<compile_context>
chip_gen: v7x
topology: tpu7x:2x2x1
jax: 0.10.2.dev20260603
libtpu: 0.0.44.dev20260713+nightly
codegen_flags: <defaults>
</compile_context>

<pallas_src>
import functools

import numpy as np
import jax
import jax.numpy as jnp
from jax import lax
from jax.experimental import pallas as pl
from jax.experimental.pallas import tpu as pltpu
from jax.experimental.pallas import tpu_sc as plsc

_xs = np.random.RandomState(0).randn(1_000_000)
_silu_np = _xs / (1.0 + np.exp(-_xs))
_SILU_C = float(np.sqrt(np.mean(_silu_np ** 2)))
_INV_SILU_C = 1.0 / _SILU_C

N_NODES = 10000
E = 160000
D = 128
N_EA = 19
CH = 128
NC, NS = 2, 16
NW = NC * NS
E_PAD = 163840
NCHUNK = E_PAD // CH
CPW = NCHUNK // NW
CPT = NCHUNK // NS
ACC_ROWS = 10240
DUMMY_ROW = N_NODES
RPT = N_NODES // NS
ZPT = ACC_ROWS // NS
BE = 1280
BC = BE // CH

_MESH = dict(core_axis_name="c", subcore_axis_name="s",
             num_cores=NC, num_subcores=NS)


GDEPTH = 2


def _gather_body(nf, s2d, out, spt, idx_v, bufs, gsems, wsems):
    cid = lax.axis_index("c")
    sid = lax.axis_index("s")
    w = cid * NS + sid
    base = w * CPW
    @pl.when(sid < NS - 1)
    def _():
        pltpu.sync_copy(nf.at[pl.ds(sid * 640, 640)],
                        spt.at[pl.ds(sid * 640, 640)])

    @pl.when(sid == NS - 1)
    def _():
        pltpu.sync_copy(nf.at[pl.ds((NS - 1) * 640, N_NODES - (NS - 1) * 640)],
                        spt.at[pl.ds((NS - 1) * 640, N_NODES - (NS - 1) * 640)])

    pltpu.sync_copy(s2d.at[pl.ds(base, CPW)], idx_v)
    plsc.subcore_barrier()

    def body(jr, carry):
        j = jr * GDEPTH
        gs = [pltpu.async_copy(spt.at[idx_v.at[j + k]], bufs[k], gsems[k])
              for k in range(GDEPTH)]
        ws = []
        for k in range(GDEPTH):
            gs[k].wait()
            ws.append(pltpu.async_copy(bufs[k], out.at[base + j + k], wsems[k]))
        for wk in ws:
            wk.wait()
        return carry

    lax.fori_loop(0, CPW // GDEPTH, body, 0)


@functools.cache
def _gather():
    return pl.kernel(
        _gather_body,
        out_type=jax.ShapeDtypeStruct((NCHUNK, CH, D), jnp.float32),
        mesh=plsc.VectorSubcoreMesh(**_MESH),
        scratch_types=[
            pltpu.VMEM_SHARED((N_NODES, D), jnp.float32),
            pltpu.VMEM((CPW, CH), jnp.int32),
            [pltpu.VMEM((CH, D), jnp.float32) for _ in range(GDEPTH)],
            [pltpu.SemaphoreType.DMA for _ in range(GDEPTH)],
            [pltpu.SemaphoreType.DMA for _ in range(GDEPTH)],
        ],
    )


def _tc_body(g_ref, ea_ref, w0, w1, w2, w3, out_ref):
    g = g_ref[...].reshape(BE, D)
    ea = ea_ref[...]
    h = jax.nn.silu((ea[:, :16] @ w0[...]) * 0.25) * _INV_SILU_C
    h = jax.nn.silu((h @ w1[...]) * 0.125) * _INV_SILU_C
    h = jax.nn.silu((h @ w2[...]) * 0.125) * _INV_SILU_C
    mix = (h @ w3[...]) * (0.125 * 0.25)
    ms = mix[:, :D]
    mv = mix[:, D:]
    gv = g * mv
    out = jnp.stack(
        [g * ms, gv * ea[:, 16:17], gv * ea[:, 17:18], gv * ea[:, 18:19]]
    )
    out_ref[...] = out.reshape(4, BC, CH, D)


HSPLIT = 640
HCHUNK = NCHUNK // 2


def _tc_call(gathered, ea_p, W0, W1, W2, W3, blk_off, nblk, nch):
    return pl.pallas_call(
        _tc_body,
        grid=(nblk,),
        in_specs=[
            pl.BlockSpec((BC, CH, D), lambda i: (i + blk_off, 0, 0)),
            pl.BlockSpec((BE, N_EA), lambda i: (i + blk_off, 0)),
            pl.BlockSpec((16, 64), lambda i: (0, 0)),
            pl.BlockSpec((64, 64), lambda i: (0, 0)),
            pl.BlockSpec((64, 64), lambda i: (0, 0)),
            pl.BlockSpec((64, 256), lambda i: (0, 0)),
        ],
        out_specs=pl.BlockSpec((4, BC, CH, D), lambda i: (0, i, 0, 0)),
        out_shape=jax.ShapeDtypeStruct((4, nch, CH, D), jnp.float32),
    )(gathered, ea_p, W0, W1, W2, W3)


@functools.cache
def _scatter(chunk_off, nch):
    CPTH = nch // NS

    def body_fn(msgs, r2d, init4, out4, acc, idx_v, bufa, bufb, sla, slb):
        cid = lax.axis_index("c")
        tid = lax.axis_index("s")
        pltpu.sync_copy(r2d.at[pl.ds(chunk_off + tid * CPTH, CPTH)], idx_v)
        for p in range(2):
            b = cid * 2 + p
            pltpu.sync_copy(init4.at[b, pl.ds(tid * ZPT, ZPT)],
                            acc.at[pl.ds(tid * ZPT, ZPT)])
            plsc.subcore_barrier()

            def body(j2, carry):
                j = j2 * 2
                gid = tid * CPTH + j
                la = pltpu.async_copy(msgs.at[b, gid], bufa, sla)
                lb = pltpu.async_copy(msgs.at[b, gid + 1], bufb, slb)
                la.wait()
                pltpu.sync_copy(bufa, acc.at[idx_v.at[j]], add=True)
                lb.wait()
                pltpu.sync_copy(bufb, acc.at[idx_v.at[j + 1]], add=True)
                return carry

            lax.fori_loop(0, CPTH // 2, body, 0)
            plsc.subcore_barrier()
            pltpu.sync_copy(acc.at[pl.ds(tid * ZPT, ZPT)],
                            out4.at[b, pl.ds(tid * ZPT, ZPT)])
            plsc.subcore_barrier()

    return pl.kernel(
        body_fn,
        out_type=jax.ShapeDtypeStruct((4, ACC_ROWS, D), jnp.float32),
        mesh=plsc.VectorSubcoreMesh(**_MESH),
        scratch_types=[
            pltpu.VMEM_SHARED((ACC_ROWS, D), jnp.float32),
            pltpu.VMEM((CPTH, CH), jnp.int32),
            pltpu.VMEM((CH, D), jnp.float32),
            pltpu.VMEM((CH, D), jnp.float32),
            pltpu.SemaphoreType.DMA,
            pltpu.SemaphoreType.DMA,
        ],
    )


def _ep_body(o4_ref, p_ref, out_ref):
    s = o4_ref[0]
    v = jnp.concatenate([o4_ref[1], o4_ref[2], o4_ref[3]], axis=1)
    vp = jnp.dot(v, p_ref[...], precision=jax.lax.Precision.HIGHEST)
    out_ref[...] = jnp.concatenate([s, vp], axis=1)


def _ep_call(out4, perm):
    RB = 2000
    return pl.pallas_call(
        _ep_body,
        grid=(N_NODES // RB,),
        in_specs=[
            pl.BlockSpec((4, RB, D), lambda i: (0, i, 0)),
            pl.BlockSpec((3 * D, 3 * D), lambda i: (0, 0)),
        ],
        out_specs=pl.BlockSpec((RB, 4 * D), lambda i: (i, 0)),
        out_shape=jax.ShapeDtypeStruct((N_NODES, 4 * D), jnp.float32),
    )(out4, perm)


_PSRC = np.arange(3 * D)
_PERM_NP = np.zeros((3 * D, 3 * D), dtype=np.float32)
_PERM_NP[(_PSRC % 3) * D + _PSRC // 3, _PSRC] = 1.0


def kernel(node_feats, edge_attrs, senders, receivers, W0, W1, W2, W3):
    pad = E_PAD - E
    s_p = jnp.concatenate(
        [senders, jnp.zeros((pad,), jnp.int32)]).reshape(NCHUNK, CH)
    r_p = jnp.concatenate(
        [receivers, jnp.full((pad,), DUMMY_ROW, jnp.int32)]).reshape(NCHUNK, CH)
    zeros4 = jnp.zeros((4, ACC_ROWS, D), jnp.float32)
    gathered = _gather()(node_feats, s_p)
    nch0, nch1 = HSPLIT, NCHUNK - HSPLIT
    nblk0 = nch0 // BC
    nblk1 = (E // CH - nch0) // BC
    msgs0 = _tc_call(gathered, edge_attrs, W0, W1, W2, W3, 0, nblk0, nch0)
    msgs1 = _tc_call(gathered, edge_attrs, W0, W1, W2, W3, nblk0, nblk1, nch1)
    out4a = _scatter(0, nch0)(msgs0, r_p, zeros4)
    out4b = _scatter(nch0, nch1)(msgs1, r_p, out4a)
    return _ep_call(out4b, jnp.asarray(_PERM_NP))

# --- scband reference (transcript-rebuilt; emitter-appended) ---
"""Pipeline reference for scband-message-passing-convolution-66314295050827 (READ-ONLY COPY).

The authoritative reference and input builder live on the scoring server;
editing this copy changes nothing except your own understanding.
"""

import jax, jax.numpy as jnp
import numpy as np

# e3nn normalize_function: rescale activation so that for x ~ N(0,1), E[act(x)^2] = 1.
_xs = np.random.RandomState(0).randn(1_000_000)
_silu_np = _xs / (1.0 + np.exp(-_xs))
_SILU_C = float(np.sqrt(np.mean(_silu_np ** 2)))

def _act(x):
    return jax.nn.silu(x) / _SILU_C

N_NODES = 10000
N_EDGES = 160000
D_NODE = 128          # node feats: 128x0e (scalars)
N_EDGE_SC = 16        # edge attrs scalar part: 16x0e
# edge attrs vector part: 1x1o (3 components) -> edge_attrs has 16 + 3 = 19 columns
AVG_NUM_NEIGHBORS = 16.0
MLP_HIDDEN = 64
NUM_IRREPS_OUT = 256  # messages irreps = 128x0e + 128x1o -> num_irreps = 256


def setup_inputs(seed: int = 0) -> dict:
    key = jax.random.key(seed)
    ks = jax.random.split(key, 8)
    node_feats = jax.random.normal(ks[0], (N_NODES, D_NODE), dtype=jnp.float32)
    edge_attrs = jax.random.normal(ks[1], (N_EDGES, N_EDGE_SC + 3), dtype=jnp.float32)
    senders = jax.random.randint(ks[2], (N_EDGES,), 0, N_NODES, dtype=jnp.int32)
    receivers = jax.random.randint(ks[3], (N_EDGES,), 0, N_NODES, dtype=jnp.int32)
    # MLP params, path gradient_normalization (=1.0): w_init stddev = sqrt(alpha)^(1-1) = 1,
    # and the forward pass multiplies by sqrt(1/fan_in) explicitly.
    W0 = jax.random.normal(ks[4], (N_EDGE_SC, MLP_HIDDEN), dtype=jnp.float32)
    W1 = jax.random.normal(ks[5], (MLP_HIDDEN, MLP_HIDDEN), dtype=jnp.float32)
    W2 = jax.random.normal(ks[6], (MLP_HIDDEN, MLP_HIDDEN), dtype=jnp.float32)
    W3 = jax.random.normal(ks[7], (MLP_HIDDEN, NUM_IRREPS_OUT), dtype=jnp.float32)
    return {"node_feats": node_feats, "edge_attrs": edge_attrs, "senders": senders,
            "receivers": receivers, "W0": W0, "W1": W1, "W2": W2, "W3": W3}


def reference(node_feats, edge_attrs, senders, receivers, W0, W1, W2, W3):
    E = edge_attrs.shape[0]
    N = node_feats.shape[0]
    # messages = node_feats[senders]  (gather)
    msg_s = jnp.take(node_feats, senders, axis=0)          # [E, 128] (128x0e)
    edge_sc = edge_attrs[:, :N_EDGE_SC]                    # [E, 16]  (16x0e)
    edge_vec = edge_attrs[:, N_EDGE_SC:N_EDGE_SC + 3]      # [E, 3]   (1x1o)
    # tensor_product(128x0e, 1x1o) -> 128x1o ; filter_ir_out keeps 0e,1o ; regroup -> [128x0e, 128x1o]
    msg_v = msg_s[:, :, None] * edge_vec[:, None, :]       # [E, 128, 3]
    # MLP([64,64,64,256], silu, output_activation=False, path normalization) on edge scalars
    h = edge_sc
    for W in (W0, W1, W2):
        h = jnp.sqrt(1.0 / h.shape[-1]) * (h @ W)
        h = _act(h)
    mix = jnp.sqrt(1.0 / h.shape[-1]) * (h @ W3)           # [E, 256], no output activation
    # messages * mix : one scalar weight per irrep (broadcast over 2l+1 components)
    msg_s = msg_s * mix[:, :D_NODE]
    msg_v = msg_v * mix[:, D_NODE:NUM_IRREPS_OUT, None]
    messages = jnp.concatenate([msg_s, msg_v.reshape(E, 3 * D_NODE)], axis=-1)  # [E, 512]
    # zeros.at[receivers].add(messages) (scatter-add)
    out = jnp.zeros((N, messages.shape[-1]), dtype=messages.dtype).at[receivers].add(messages)
    return out / jnp.sqrt(AVG_NUM_NEIGHBORS)

if __name__ == "__main__":
    import jax
    _d = setup_inputs()
    print(jax.jit(kernel)(*tuple(_d.values())))

</pallas_src>

<mosaic_0001>
#map = affine_map<(d0, d1) -> (0, 0)>
#map1 = affine_map<(d0, d1) -> (0, 0, 0)>
module attributes {stable_mosaic.version = 14 : i64} {
  func.func @_gather_body(%arg0: i32, %arg1: i32, %arg2: memref<10000x128xf32, #tpu.memory_space<hbm>>, %arg3: memref<1280x128xi32, #tpu.memory_space<hbm>>, %arg4: memref<1280x128x128xf32, #tpu.memory_space<hbm>>, %arg5: memref<10000x128xf32, #tpu.memory_space<vmem_shared>>, %arg6: memref<40x128xi32, #tpu.memory_space<vmem>>, %arg7: memref<128x128xf32, #tpu.memory_space<vmem>>, %arg8: memref<128x128xf32, #tpu.memory_space<vmem>>, %arg9: memref<!tpu.dma_semaphore, #tpu.memory_space<semaphore_mem>>, %arg10: memref<!tpu.dma_semaphore, #tpu.memory_space<semaphore_mem>>, %arg11: memref<!tpu.dma_semaphore, #tpu.memory_space<semaphore_mem>>, %arg12: memref<!tpu.dma_semaphore, #tpu.memory_space<semaphore_mem>>) attributes {dimension_semantics = [#tpu.dimension_semantics<core_parallel>, #tpu.dimension_semantics<subcore_parallel>], iteration_bounds = array<i64: 2, 16>, scalar_prefetch = 0 : i64, scratch_operands = 8 : i64, tpu.core_type = #tpu.core_type<sc_vector_subcore>, window_params = [{transform_indices = #map}, {transform_indices = #map}, {transform_indices = #map1}]} {
    %mul3A = arith.constant 16 : i32
    %mul3A_0 = arith.muli %arg0, %mul3A : i32
    %add3A = arith.addi %mul3A_0, %arg1 : i32
    %mul3A_1 = arith.constant 40 : i32
    %mul3A_2 = arith.muli %add3A, %mul3A_1 : i32
    %lt3A = arith.constant 15 : i32
    %lt3A_3 = arith.cmpi slt, %arg1, %lt3A : i32
    %convert_element_type3A = arith.extui %lt3A_3 : i1 to i32
    %cond3A = arith.constant 0 : i32
    %cond3A_4 = arith.cmpi ne, %convert_element_type3A, %cond3A : i32
    scf.if %cond3A_4 {
      %mul3A_14 = arith.constant 640 : i32
      %mul3A_15 = arith.muli %arg1, %mul3A_14 : i32
      %mul3A_16 = arith.constant 640 : i32
      %mul3A_17 = arith.muli %arg1, %mul3A_16 : i32
      "tpu.region"() ({
        %run_scoped3A = tpu.sem_alloc : memref<!tpu.dma_semaphore, #tpu.memory_space<semaphore_mem>>
        %dma_start3A = arith.constant 0 : i32
        %dma_start3A_18 = tpu.memref_slice %arg5[%mul3A_17, %dma_start3A] : memref<10000x128xf32, #tpu.memory_space<vmem_shared>> -> memref<640x128xf32, #tpu.memory_space<vmem_shared>>
        %dma_start3A_19 = arith.constant 0 : i32
        %dma_start3A_20 = tpu.memref_slice %arg2[%mul3A_15, %dma_start3A_19] : memref<10000x128xf32, #tpu.memory_space<hbm>> -> memref<640x128xf32, #tpu.memory_space<hbm>>
        tpu.enqueue_dma source(%dma_start3A_20 : memref<640x128xf32, #tpu.memory_space<hbm>>) target(%dma_start3A_18 : memref<640x128xf32, #tpu.memory_space<vmem_shared>>) target_semaphore(%run_scoped3A : memref<!tpu.dma_semaphore, #tpu.memory_space<semaphore_mem>>)
        %dma_wait3A = arith.constant 0 : i32
        %dma_wait3A_21 = tpu.memref_slice %arg5[%mul3A_17, %dma_wait3A] : memref<10000x128xf32, #tpu.memory_space<vmem_shared>> -> memref<640x128xf32, #tpu.memory_space<vmem_shared>>
        %dma_wait3A_22 = arith.constant 0 : i32
        %dma_wait3A_23 = tpu.memref_slice %arg2[%mul3A_15, %dma_wait3A_22] : memref<10000x128xf32, #tpu.memory_space<hbm>> -> memref<640x128xf32, #tpu.memory_space<hbm>>
        tpu.wait_dma2 semaphore(%run_scoped3A : memref<!tpu.dma_semaphore, #tpu.memory_space<semaphore_mem>>) src(%dma_wait3A_23 : memref<640x128xf32, #tpu.memory_space<hbm>>) dst(%dma_wait3A_21 : memref<640x128xf32, #tpu.memory_space<vmem_shared>>)
        tpu.yield
      }) : () -> ()
    } else {
    }
    %eq3A = arith.constant 15 : i32
    %eq3A_5 = arith.cmpi eq, %arg1, %eq3A : i32
    %convert_element_type3A_6 = arith.extui %eq3A_5 : i1 to i32
    %cond3A_7 = arith.constant 0 : i32
    %cond3A_8 = arith.cmpi ne, %convert_element_type3A_6, %cond3A_7 : i32
    scf.if %cond3A_8 {
      "tpu.region"() ({
        %run_scoped3A = tpu.sem_alloc : memref<!tpu.dma_semaphore, #tpu.memory_space<semaphore_mem>>
        %dma_start3A = arith.constant 9600 : i32
        %dma_start3A_14 = arith.constant 0 : i32
        %dma_start3A_15 = tpu.memref_slice %arg5[%dma_start3A, %dma_start3A_14] : memref<10000x128xf32, #tpu.memory_space<vmem_shared>> -> memref<400x128xf32, #tpu.memory_space<vmem_shared>>
        %dma_start3A_16 = arith.constant 9600 : i32
        %dma_start3A_17 = arith.constant 0 : i32
        %dma_start3A_18 = tpu.memref_slice %arg2[%dma_start3A_16, %dma_start3A_17] : memref<10000x128xf32, #tpu.memory_space<hbm>> -> memref<400x128xf32, #tpu.memory_space<hbm>>
        tpu.enqueue_dma source(%dma_start3A_18 : memref<400x128xf32, #tpu.memory_space<hbm>>) target(%dma_start3A_15 : memref<400x128xf32, #tpu.memory_space<vmem_shared>>) target_semaphore(%run_scoped3A : memref<!tpu.dma_semaphore, #tpu.memory_space<semaphore_mem>>)
        %dma_wait3A = arith.constant 9600 : i32
        %dma_wait3A_19 = arith.constant 0 : i32
        %dma_wait3A_20 = tpu.memref_slice %arg5[%dma_wait3A, %dma_wait3A_19] : memref<10000x128xf32, #tpu.memory_space<vmem_shared>> -> memref<400x128xf32, #tpu.memory_space<vmem_shared>>
        %dma_wait3A_21 = arith.constant 9600 : i32
        %dma_wait3A_22 = arith.constant 0 : i32
        %dma_wait3A_23 = tpu.memref_slice %arg2[%dma_wait3A_21, %dma_wait3A_22] : memref<10000x128xf32, #tpu.memory_space<hbm>> -> memref<400x128xf32, #tpu.memory_space<hbm>>
        tpu.wait_dma2 semaphore(%run_scoped3A : memref<!tpu.dma_semaphore, #tpu.memory_space<semaphore_mem>>) src(%dma_wait3A_23 : memref<400x128xf32, #tpu.memory_space<hbm>>) dst(%dma_wait3A_20 : memref<400x128xf32, #tpu.memory_space<vmem_shared>>)
        tpu.yield
      }) : () -> ()
    } else {
    }
    "tpu.region"() ({
      %run_scoped3A = tpu.sem_alloc : memref<!tpu.dma_semaphore, #tpu.memory_space<semaphore_mem>>
      %dma_start3A = arith.constant 0 : i32
      %dma_start3A_14 = tpu.memref_slice %arg3[%mul3A_2, %dma_start3A] : memref<1280x128xi32, #tpu.memory_space<hbm>> -> memref<40x128xi32, #tpu.memory_space<hbm>>
      %dma_start3A_15 = arith.constant 0 : i32
      %dma_start3A_16 = tpu.memref_slice %arg3[%mul3A_2, %dma_start3A_15] : memref<1280x128xi32, #tpu.memory_space<hbm>> -> memref<40x128xi32, #tpu.memory_space<hbm>>
      tpu.enqueue_dma source(%dma_start3A_16 : memref<40x128xi32, #tpu.memory_space<hbm>>) target(%arg6 : memref<40x128xi32, #tpu.memory_space<vmem>>) target_semaphore(%run_scoped3A : memref<!tpu.dma_semaphore, #tpu.memory_space<semaphore_mem>>)
      %dma_wait3A = arith.constant 0 : i32
      %dma_wait3A_17 = tpu.memref_slice %arg3[%mul3A_2, %dma_wait3A] : memref<1280x128xi32, #tpu.memory_space<hbm>> -> memref<40x128xi32, #tpu.memory_space<hbm>>
      %dma_wait3A_18 = arith.constant 0 : i32
      %dma_wait3A_19 = tpu.memref_slice %arg3[%mul3A_2, %dma_wait3A_18] : memref<1280x128xi32, #tpu.memory_space<hbm>> -> memref<40x128xi32, #tpu.memory_space<hbm>>
      tpu.wait_dma2 semaphore(%run_scoped3A : memref<!tpu.dma_semaphore, #tpu.memory_space<semaphore_mem>>) src(%dma_wait3A_19 : memref<40x128xi32, #tpu.memory_space<hbm>>) dst(%arg6 : memref<40x128xi32, #tpu.memory_space<vmem>>)
      tpu.yield
    }) : () -> ()
    %barrier3A = arith.constant 0 : index
    tpu.barrier barrier_id(%barrier3A)
    %scan3A = arith.constant 0 : i32
    %scan3A_9 = arith.constant 0 : i32
    %scan3A_10 = arith.constant 20 : i32
    %scan3A_11 = arith.addi %scan3A_9, %scan3A_10 : i32
    %scan3A_12 = arith.constant 1 : i32
    scf.for %scan3A_14 = %scan3A_9 to %scan3A_11 step %scan3A_12  : i32 {
      %mul3A_15 = arith.constant 2 : i32
      %mul3A_16 = arith.muli %scan3A_14, %mul3A_15 : i32
      %add3A_17 = arith.constant 0 : i32
      %add3A_18 = arith.addi %mul3A_16, %add3A_17 : i32
      %dma_start3A = arith.constant 0 : i32
      %dma_start3A_19 = tpu.memref_slice %arg6[%add3A_18, %dma_start3A] : memref<40x128xi32, #tpu.memory_space<vmem>> -> memref<1x128xi32, #tpu.memory_space<vmem>>
      %dma_start3A_20 = tpu.memref_squeeze %dma_start3A_19 : memref<1x128xi32, #tpu.memory_space<vmem>> -> memref<128xi32, #tpu.memory_space<vmem>>
      %dma_start3A_21 = arith.constant 0 : i32
      %dma_start3A_22 = arith.constant 0 : i32
      %dma_start3A_23 = tpu.memref_slice %arg5[%dma_start3A_21, %dma_start3A_22] : memref<10000x128xf32, #tpu.memory_space<vmem_shared>> -> memref<10000x128xf32, #tpu.memory_space<vmem_shared>>
      tpu.enqueue_indirect_dma source(%dma_start3A_23 : memref<10000x128xf32, #tpu.memory_space<vmem_shared>>) target(%arg7 : memref<128x128xf32, #tpu.memory_space<vmem>>) offsets(%dma_start3A_20 : memref<128xi32, #tpu.memory_space<vmem>>) semaphore(%arg9 : memref<!tpu.dma_semaphore, #tpu.memory_space<semaphore_mem>>)
      %add3A_24 = arith.constant 1 : i32
      %add3A_25 = arith.addi %mul3A_16, %add3A_24 : i32
      %dma_start3A_26 = arith.constant 0 : i32
      %dma_start3A_27 = tpu.memref_slice %arg6[%add3A_25, %dma_start3A_26] : memref<40x128xi32, #tpu.memory_space<vmem>> -> memref<1x128xi32, #tpu.memory_space<vmem>>
      %dma_start3A_28 = tpu.memref_squeeze %dma_start3A_27 : memref<1x128xi32, #tpu.memory_space<vmem>> -> memref<128xi32, #tpu.memory_space<vmem>>
      %dma_start3A_29 = arith.constant 0 : i32
      %dma_start3A_30 = arith.constant 0 : i32
      %dma_start3A_31 = tpu.memref_slice %arg5[%dma_start3A_29, %dma_start3A_30] : memref<10000x128xf32, #tpu.memory_space<vmem_shared>> -> memref<10000x128xf32, #tpu.memory_space<vmem_shared>>
      tpu.enqueue_indirect_dma source(%dma_start3A_31 : memref<10000x128xf32, #tpu.memory_space<vmem_shared>>) target(%arg8 : memref<128x128xf32, #tpu.memory_space<vmem>>) offsets(%dma_start3A_28 : memref<128xi32, #tpu.memory_space<vmem>>) semaphore(%arg10 : memref<!tpu.dma_semaphore, #tpu.memory_space<semaphore_mem>>)
      %dma_wait3A = arith.constant 0 : i32
      %dma_wait3A_32 = tpu.memref_slice %arg6[%add3A_18, %dma_wait3A] : memref<40x128xi32, #tpu.memory_space<vmem>> -> memref<1x128xi32, #tpu.memory_space<vmem>>
      %dma_wait3A_33 = tpu.memref_squeeze %dma_wait3A_32 : memref<1x128xi32, #tpu.memory_space<vmem>> -> memref<128xi32, #tpu.memory_space<vmem>>
      %dma_wait3A_34 = arith.constant 0 : i32
      %dma_wait3A_35 = arith.constant 0 : i32
      %dma_wait3A_36 = tpu.memref_slice %arg5[%dma_wait3A_34, %dma_wait3A_35] : memref<10000x128xf32, #tpu.memory_space<vmem_shared>> -> memref<10000x128xf32, #tpu.memory_space<vmem_shared>>
      tpu.wait_indirect_dma semaphore(%arg9 : memref<!tpu.dma_semaphore, #tpu.memory_space<semaphore_mem>>) src(%dma_wait3A_36 : memref<10000x128xf32, #tpu.memory_space<vmem_shared>>) dst(%arg7 : memref<128x128xf32, #tpu.memory_space<vmem>>)
      %add3A_37 = arith.addi %mul3A_2, %mul3A_16 : i32
      %add3A_38 = arith.constant 0 : i32
      %add3A_39 = arith.addi %add3A_37, %add3A_38 : i32
      %dma_start3A_40 = arith.constant 0 : i32
      %dma_start3A_41 = arith.constant 0 : i32
      %dma_start3A_42 = tpu.memref_slice %arg4[%add3A_39, %dma_start3A_40, %dma_start3A_41] : memref<1280x128x128xf32, #tpu.memory_space<hbm>> -> memref<1x128x128xf32, #tpu.memory_space<hbm>>
      %dma_start3A_43 = tpu.memref_squeeze %dma_start3A_42 : memref<1x128x128xf32, #tpu.memory_space<hbm>> -> memref<128x128xf32, #tpu.memory_space<hbm>>
      %dma_start3A_44 = arith.constant 0 : i32
      %dma_start3A_45 = arith.constant 0 : i32
      %dma_start3A_46 = tpu.memref_slice %arg4[%add3A_39, %dma_start3A_44, %dma_start3A_45] : memref<1280x128x128xf32, #tpu.memory_space<hbm>> -> memref<1x128x128xf32, #tpu.memory_space<hbm>>
      %dma_start3A_47 = tpu.memref_squeeze %dma_start3A_46 : memref<1x128x128xf32, #tpu.memory_space<hbm>> -> memref<128x128xf32, #tpu.memory_space<hbm>>
      tpu.enqueue_dma source(%arg7 : memref<128x128xf32, #tpu.memory_space<vmem>>) target(%dma_start3A_47 : memref<128x128xf32, #tpu.memory_space<hbm>>) target_semaphore(%arg11 : memref<!tpu.dma_semaphore, #tpu.memory_space<semaphore_mem>>)
      %dma_wait3A_48 = arith.constant 0 : i32
      %dma_wait3A_49 = tpu.memref_slice %arg6[%add3A_25, %dma_wait3A_48] : memref<40x128xi32, #tpu.memory_space<vmem>> -> memref<1x128xi32, #tpu.memory_space<vmem>>
      %dma_wait3A_50 = tpu.memref_squeeze %dma_wait3A_49 : memref<1x128xi32, #tpu.memory_space<vmem>> -> memref<128xi32, #tpu.memory_space<vmem>>
      %dma_wait3A_51 = arith.constant 0 : i32
      %dma_wait3A_52 = arith.constant 0 : i32
      %dma_wait3A_53 = tpu.memref_slice %arg5[%dma_wait3A_51, %dma_wait3A_52] : memref<10000x128xf32, #tpu.memory_space<vmem_shared>> -> memref<10000x128xf32, #tpu.memory_space<vmem_shared>>
      tpu.wait_indirect_dma semaphore(%arg10 : memref<!tpu.dma_semaphore, #tpu.memory_space<semaphore_mem>>) src(%dma_wait3A_53 : memref<10000x128xf32, #tpu.memory_space<vmem_shared>>) dst(%arg8 : memref<128x128xf32, #tpu.memory_space<vmem>>)
      %add3A_54 = arith.addi %mul3A_2, %mul3A_16 : i32
      %add3A_55 = arith.constant 1 : i32
      %add3A_56 = arith.addi %add3A_54, %add3A_55 : i32
      %dma_start3A_57 = arith.constant 0 : i32
      %dma_start3A_58 = arith.constant 0 : i32
      %dma_start3A_59 = tpu.memref_slice %arg4[%add3A_56, %dma_start3A_57, %dma_start3A_58] : memref<1280x128x128xf32, #tpu.memory_space<hbm>> -> memref<1x128x128xf32, #tpu.memory_space<hbm>>
      %dma_start3A_60 = tpu.memref_squeeze %dma_start3A_59 : memref<1x128x128xf32, #tpu.memory_space<hbm>> -> memref<128x128xf32, #tpu.memory_space<hbm>>
      %dma_start3A_61 = arith.constant 0 : i32
      %dma_start3A_62 = arith.constant 0 : i32
      %dma_start3A_63 = tpu.memref_slice %arg4[%add3A_56, %dma_start3A_61, %dma_start3A_62] : memref<1280x128x128xf32, #tpu.memory_space<hbm>> -> memref<1x128x128xf32, #tpu.memory_space<hbm>>
      %dma_start3A_64 = tpu.memref_squeeze %dma_start3A_63 : memref<1x128x128xf32, #tpu.memory_space<hbm>> -> memref<128x128xf32, #tpu.memory_space<hbm>>
      tpu.enqueue_dma source(%arg8 : memref<128x128xf32, #tpu.memory_space<vmem>>) target(%dma_start3A_64 : memref<128x128xf32, #tpu.memory_space<hbm>>) target_semaphore(%arg12 : memref<!tpu.dma_semaphore, #tpu.memory_space<semaphore_mem>>)
      %dma_wait3A_65 = arith.constant 0 : i32
      %dma_wait3A_66 = arith.constant 0 : i32
      %dma_wait3A_67 = tpu.memref_slice %arg4[%add3A_39, %dma_wait3A_65, %dma_wait3A_66] : memref<1280x128x128xf32, #tpu.memory_space<hbm>> -> memref<1x128x128xf32, #tpu.memory_space<hbm>>
      %dma_wait3A_68 = tpu.memref_squeeze %dma_wait3A_67 : memref<1x128x128xf32, #tpu.memory_space<hbm>> -> memref<128x128xf32, #tpu.memory_space<hbm>>
      %dma_wait3A_69 = arith.constant 0 : i32
      %dma_wait3A_70 = arith.constant 0 : i32
      %dma_wait3A_71 = tpu.memref_slice %arg4[%add3A_39, %dma_wait3A_69, %dma_wait3A_70] : memref<1280x128x128xf32, #tpu.memory_space<hbm>> -> memref<1x128x128xf32, #tpu.memory_space<hbm>>
      %dma_wait3A_72 = tpu.memref_squeeze %dma_wait3A_71 : memref<1x128x128xf32, #tpu.memory_space<hbm>> -> memref<128x128xf32, #tpu.memory_space<hbm>>
      tpu.wait_dma2 semaphore(%arg11 : memref<!tpu.dma_semaphore, #tpu.memory_space<semaphore_mem>>) src(%arg7 : memref<128x128xf32, #tpu.memory_space<vmem>>) dst(%dma_wait3A_72 : memref<128x128xf32, #tpu.memory_space<hbm>>)
      %dma_wait3A_73 = arith.constant 0 : i32
      %dma_wait3A_74 = arith.constant 0 : i32
      %dma_wait3A_75 = tpu.memref_slice %arg4[%add3A_56, %dma_wait3A_73, %dma_wait3A_74] : memref<1280x128x128xf32, #tpu.memory_space<hbm>> -> memref<1x128x128xf32, #tpu.memory_space<hbm>>
      %dma_wait3A_76 = tpu.memref_squeeze %dma_wait3A_75 : memref<1x128x128xf32, #tpu.memory_space<hbm>> -> memref<128x128xf32, #tpu.memory_space<hbm>>
      %dma_wait3A_77 = arith.constant 0 : i32
      %dma_wait3A_78 = arith.constant 0 : i32
      %dma_wait3A_79 = tpu.memref_slice %arg4[%add3A_56, %dma_wait3A_77, %dma_wait3A_78] : memref<1280x128x128xf32, #tpu.memory_space<hbm>> -> memref<1x128x128xf32, #tpu.memory_space<hbm>>
      %dma_wait3A_80 = tpu.memref_squeeze %dma_wait3A_79 : memref<1x128x128xf32, #tpu.memory_space<hbm>> -> memref<128x128xf32, #tpu.memory_space<hbm>>
      tpu.wait_dma2 semaphore(%arg12 : memref<!tpu.dma_semaphore, #tpu.memory_space<semaphore_mem>>) src(%arg8 : memref<128x128xf32, #tpu.memory_space<vmem>>) dst(%dma_wait3A_80 : memref<128x128xf32, #tpu.memory_space<hbm>>)
    }
    %scan3A_13 = arith.constant 20 : i32
    return
  }
}

#map = affine_map<(d0, d1) -> (0, 0, 0, 0)>
#map1 = affine_map<(d0, d1) -> (0, 0)>
#map2 = affine_map<(d0, d1) -> (0, 0, 0)>
module attributes {stable_mosaic.version = 14 : i64} {
  func.func @body_fn(%arg0: i32, %arg1: i32, %arg2: memref<4x640x128x128xf32, #tpu.memory_space<hbm>>, %arg3: memref<1280x128xi32, #tpu.memory_space<hbm>>, %arg4: memref<4x10240x128xf32, #tpu.memory_space<hbm>>, %arg5: memref<4x10240x128xf32, #tpu.memory_space<hbm>>, %arg6: memref<10240x128xf32, #tpu.memory_space<vmem_shared>>, %arg7: memref<40x128xi32, #tpu.memory_space<vmem>>, %arg8: memref<128x128xf32, #tpu.memory_space<vmem>>, %arg9: memref<128x128xf32, #tpu.memory_space<vmem>>, %arg10: memref<!tpu.dma_semaphore, #tpu.memory_space<semaphore_mem>>, %arg11: memref<!tpu.dma_semaphore, #tpu.memory_space<semaphore_mem>>) attributes {dimension_semantics = [#tpu.dimension_semantics<core_parallel>, #tpu.dimension_semantics<subcore_parallel>], iteration_bounds = array<i64: 2, 16>, scalar_prefetch = 0 : i64, scratch_operands = 6 : i64, tpu.core_type = #tpu.core_type<sc_vector_subcore>, window_params = [{transform_indices = #map}, {transform_indices = #map1}, {transform_indices = #map2}, {transform_indices = #map2}]} {
    %mul3A = arith.constant 40 : i32
    %mul3A_0 = arith.muli %arg1, %mul3A : i32
    %add3A = arith.constant 640 : i32
    %add3A_1 = arith.addi %add3A, %mul3A_0 : i32
    "tpu.region"() ({
      %run_scoped3A = tpu.sem_alloc : memref<!tpu.dma_semaphore, #tpu.memory_space<semaphore_mem>>
      %dma_start3A = arith.constant 0 : i32
      %dma_start3A_42 = tpu.memref_slice %arg3[%add3A_1, %dma_start3A] : memref<1280x128xi32, #tpu.memory_space<hbm>> -> memref<40x128xi32, #tpu.memory_space<hbm>>
      %dma_start3A_43 = arith.constant 0 : i32
      %dma_start3A_44 = tpu.memref_slice %arg3[%add3A_1, %dma_start3A_43] : memref<1280x128xi32, #tpu.memory_space<hbm>> -> memref<40x128xi32, #tpu.memory_space<hbm>>
      tpu.enqueue_dma source(%dma_start3A_44 : memref<40x128xi32, #tpu.memory_space<hbm>>) target(%arg7 : memref<40x128xi32, #tpu.memory_space<vmem>>) target_semaphore(%run_scoped3A : memref<!tpu.dma_semaphore, #tpu.memory_space<semaphore_mem>>)
      %dma_wait3A = arith.constant 0 : i32
      %dma_wait3A_45 = tpu.memref_slice %arg3[%add3A_1, %dma_wait3A] : memref<1280x128xi32, #tpu.memory_space<hbm>> -> memref<40x128xi32, #tpu.memory_space<hbm>>
      %dma_wait3A_46 = arith.constant 0 : i32
      %dma_wait3A_47 = tpu.memref_slice %arg3[%add3A_1, %dma_wait3A_46] : memref<1280x128xi32, #tpu.memory_space<hbm>> -> memref<40x128xi32, #tpu.memory_space<hbm>>
      tpu.wait_dma2 semaphore(%run_scoped3A : memref<!tpu.dma_semaphore, #tpu.memory_space<semaphore_mem>>) src(%dma_wait3A_47 : memref<40x128xi32, #tpu.memory_space<hbm>>) dst(%arg7 : memref<40x128xi32, #tpu.memory_space<vmem>>)
      tpu.yield
    }) : () -> ()
    %mul3A_2 = arith.constant 2 : i32
    %mul3A_3 = arith.muli %arg0, %mul3A_2 : i32
    %add3A_4 = arith.constant 0 : i32
    %add3A_5 = arith.addi %mul3A_3, %add3A_4 : i32
    %mul3A_6 = arith.constant 640 : i32
    %mul3A_7 = arith.muli %arg1, %mul3A_6 : i32
    %mul3A_8 = arith.constant 640 : i32
    %mul3A_9 = arith.muli %arg1, %mul3A_8 : i32
    "tpu.region"() ({
      %run_scoped3A = tpu.sem_alloc : memref<!tpu.dma_semaphore, #tpu.memory_space<semaphore_mem>>
      %dma_start3A = arith.constant 0 : i32
      %dma_start3A_42 = tpu.memref_slice %arg6[%mul3A_9, %dma_start3A] : memref<10240x128xf32, #tpu.memory_space<vmem_shared>> -> memref<640x128xf32, #tpu.memory_space<vmem_shared>>
      %dma_start3A_43 = arith.constant 0 : i32
      %dma_start3A_44 = tpu.memref_slice %arg4[%add3A_5, %mul3A_7, %dma_start3A_43] : memref<4x10240x128xf32, #tpu.memory_space<hbm>> -> memref<1x640x128xf32, #tpu.memory_space<hbm>>
      %dma_start3A_45 = tpu.memref_squeeze %dma_start3A_44 : memref<1x640x128xf32, #tpu.memory_space<hbm>> -> memref<640x128xf32, #tpu.memory_space<hbm>>
      tpu.enqueue_dma source(%dma_start3A_45 : memref<640x128xf32, #tpu.memory_space<hbm>>) target(%dma_start3A_42 : memref<640x128xf32, #tpu.memory_space<vmem_shared>>) target_semaphore(%run_scoped3A : memref<!tpu.dma_semaphore, #tpu.memory_space<semaphore_mem>>)
      %dma_wait3A = arith.constant 0 : i32
      %dma_wait3A_46 = tpu.memref_slice %arg6[%mul3A_9, %dma_wait3A] : memref<10240x128xf32, #tpu.memory_space<vmem_shared>> -> memref<640x128xf32, #tpu.memory_space<vmem_shared>>
      %dma_wait3A_47 = arith.constant 0 : i32
      %dma_wait3A_48 = tpu.memref_slice %arg4[%add3A_5, %mul3A_7, %dma_wait3A_47] : memref<4x10240x128xf32, #tpu.memory_space<hbm>> -> memref<1x640x128xf32, #tpu.memory_space<hbm>>
      %dma_wait3A_49 = tpu.memref_squeeze %dma_wait3A_48 : memref<1x640x128xf32, #tpu.memory_space<hbm>> -> memref<640x128xf32, #tpu.memory_space<hbm>>
      tpu.wait_dma2 semaphore(%run_scoped3A : memref<!tpu.dma_semaphore, #tpu.memory_space<semaphore_mem>>) src(%dma_wait3A_49 : memref<640x128xf32, #tpu.memory_space<hbm>>) dst(%dma_wait3A_46 : memref<640x128xf32, #tpu.memory_space<vmem_shared>>)
      tpu.yield
    }) : () -> ()
    %barrier3A = arith.constant 0 : index
    tpu.barrier barrier_id(%barrier3A)
    %scan3A = arith.constant 0 : i32
    %scan3A_10 = arith.constant 0 : i32
    %scan3A_11 = arith.constant 20 : i32
    %scan3A_12 = arith.addi %scan3A_10, %scan3A_11 : i32
    %scan3A_13 = arith.constant 1 : i32
    scf.for %scan3A_42 = %scan3A_10 to %scan3A_12 step %scan3A_13  : i32 {
      %mul3A_43 = arith.constant 2 : i32
      %mul3A_44 = arith.muli %scan3A_42, %mul3A_43 : i32
      %mul3A_45 = arith.constant 40 : i32
      %mul3A_46 = arith.muli %arg1, %mul3A_45 : i32
      %add3A_47 = arith.addi %mul3A_46, %mul3A_44 : i32
      %dma_start3A = arith.constant 0 : i32
      %dma_start3A_48 = arith.constant 0 : i32
      %dma_start3A_49 = tpu.memref_slice %arg2[%add3A_5, %add3A_47, %dma_start3A, %dma_start3A_48] : memref<4x640x128x128xf32, #tpu.memory_space<hbm>> -> memref<1x1x128x128xf32, #tpu.memory_space<hbm>>
      %dma_start3A_50 = tpu.memref_squeeze %dma_start3A_49 : memref<1x1x128x128xf32, #tpu.memory_space<hbm>> -> memref<128x128xf32, #tpu.memory_space<hbm>>
      %dma_start3A_51 = arith.constant 0 : i32
      %dma_start3A_52 = arith.constant 0 : i32
      %dma_start3A_53 = tpu.memref_slice %arg2[%add3A_5, %add3A_47, %dma_start3A_51, %dma_start3A_52] : memref<4x640x128x128xf32, #tpu.memory_space<hbm>> -> memref<1x1x128x128xf32, #tpu.memory_space<hbm>>
      %dma_start3A_54 = tpu.memref_squeeze %dma_start3A_53 : memref<1x1x128x128xf32, #tpu.memory_space<hbm>> -> memref<128x128xf32, #tpu.memory_space<hbm>>
      tpu.enqueue_dma source(%dma_start3A_54 : memref<128x128xf32, #tpu.memory_space<hbm>>) target(%arg8 : memref<128x128xf32, #tpu.memory_space<vmem>>) target_semaphore(%arg10 : memref<!tpu.dma_semaphore, #tpu.memory_space<semaphore_mem>>)
      %add3A_55 = arith.constant 1 : i32
      %add3A_56 = arith.addi %add3A_47, %add3A_55 : i32
      %dma_start3A_57 = arith.constant 0 : i32
      %dma_start3A_58 = arith.constant 0 : i32
      %dma_start3A_59 = tpu.memref_slice %arg2[%add3A_5, %add3A_56, %dma_start3A_57, %dma_start3A_58] : memref<4x640x128x128xf32, #tpu.memory_space<hbm>> -> memref<1x1x128x128xf32, #tpu.memory_space<hbm>>
      %dma_start3A_60 = tpu.memref_squeeze %dma_start3A_59 : memref<1x1x128x128xf32, #tpu.memory_space<hbm>> -> memref<128x128xf32, #tpu.memory_space<hbm>>
      %dma_start3A_61 = arith.constant 0 : i32
      %dma_start3A_62 = arith.constant 0 : i32
      %dma_start3A_63 = tpu.memref_slice %arg2[%add3A_5, %add3A_56, %dma_start3A_61, %dma_start3A_62] : memref<4x640x128x128xf32, #tpu.memory_space<hbm>> -> memref<1x1x128x128xf32, #tpu.memory_space<hbm>>
      %dma_start3A_64 = tpu.memref_squeeze %dma_start3A_63 : memref<1x1x128x128xf32, #tpu.memory_space<hbm>> -> memref<128x128xf32, #tpu.memory_space<hbm>>
      tpu.enqueue_dma source(%dma_start3A_64 : memref<128x128xf32, #tpu.memory_space<hbm>>) target(%arg9 : memref<128x128xf32, #tpu.memory_space<vmem>>) target_semaphore(%arg11 : memref<!tpu.dma_semaphore, #tpu.memory_space<semaphore_mem>>)
      %dma_wait3A = arith.constant 0 : i32
      %dma_wait3A_65 = arith.constant 0 : i32
      %dma_wait3A_66 = tpu.memref_slice %arg2[%add3A_5, %add3A_47, %dma_wait3A, %dma_wait3A_65] : memref<4x640x128x128xf32, #tpu.memory_space<hbm>> -> memref<1x1x128x128xf32, #tpu.memory_space<hbm>>
      %dma_wait3A_67 = tpu.memref_squeeze %dma_wait3A_66 : memref<1x1x128x128xf32, #tpu.memory_space<hbm>> -> memref<128x128xf32, #tpu.memory_space<hbm>>
      %dma_wait3A_68 = arith.constant 0 : i32
      %dma_wait3A_69 = arith.constant 0 : i32
      %dma_wait3A_70 = tpu.memref_slice %arg2[%add3A_5, %add3A_47, %dma_wait3A_68, %dma_wait3A_69] : memref<4x640x128x128xf32, #tpu.memory_space<hbm>> -> memref<1x1x128x128xf32, #tpu.memory_space<hbm>>
      %dma_wait3A_71 = tpu.memref_squeeze %dma_wait3A_70 : memref<1x1x128x128xf32, #tpu.memory_space<hbm>> -> memref<128x128xf32, #tpu.memory_space<hbm>>
      tpu.wait_dma2 semaphore(%arg10 : memref<!tpu.dma_semaphore, #tpu.memory_space<semaphore_mem>>) src(%dma_wait3A_71 : memref<128x128xf32, #tpu.memory_space<hbm>>) dst(%arg8 : memref<128x128xf32, #tpu.memory_space<vmem>>)
      "tpu.region"() ({
        %run_scoped3A = tpu.sem_alloc : memref<!tpu.dma_semaphore, #tpu.memory_space<semaphore_mem>>
        %dma_start3A_82 = arith.constant 0 : i32
        %dma_start3A_83 = tpu.memref_slice %arg7[%mul3A_44, %dma_start3A_82] : memref<40x128xi32, #tpu.memory_space<vmem>> -> memref<1x128xi32, #tpu.memory_space<vmem>>
        %dma_start3A_84 = tpu.memref_squeeze %dma_start3A_83 : memref<1x128xi32, #tpu.memory_space<vmem>> -> memref<128xi32, #tpu.memory_space<vmem>>
        %dma_start3A_85 = arith.constant 0 : i32
        %dma_start3A_86 = arith.constant 0 : i32
        %dma_start3A_87 = tpu.memref_slice %arg6[%dma_start3A_85, %dma_start3A_86] : memref<10240x128xf32, #tpu.memory_space<vmem_shared>> -> memref<10240x128xf32, #tpu.memory_space<vmem_shared>>
        tpu.enqueue_indirect_dma source(%arg8 : memref<128x128xf32, #tpu.memory_space<vmem>>) target(%dma_start3A_87 : memref<10240x128xf32, #tpu.memory_space<vmem_shared>>) offsets(%dma_start3A_84 : memref<128xi32, #tpu.memory_space<vmem>>) semaphore(%run_scoped3A : memref<!tpu.dma_semaphore, #tpu.memory_space<semaphore_mem>>) {add = true}
        %dma_wait3A_88 = arith.constant 0 : i32
        %dma_wait3A_89 = tpu.memref_slice %arg7[%mul3A_44, %dma_wait3A_88] : memref<40x128xi32, #tpu.memory_space<vmem>> -> memref<1x128xi32, #tpu.memory_space<vmem>>
        %dma_wait3A_90 = tpu.memref_squeeze %dma_wait3A_89 : memref<1x128xi32, #tpu.memory_space<vmem>> -> memref<128xi32, #tpu.memory_space<vmem>>
        %dma_wait3A_91 = arith.constant 0 : i32
        %dma_wait3A_92 = arith.constant 0 : i32
        %dma_wait3A_93 = tpu.memref_slice %arg6[%dma_wait3A_91, %dma_wait3A_92] : memref<10240x128xf32, #tpu.memory_space<vmem_shared>> -> memref<10240x128xf32, #tpu.memory_space<vmem_shared>>
        tpu.wait_indirect_dma semaphore(%run_scoped3A : memref<!tpu.dma_semaphore, #tpu.memory_space<semaphore_mem>>) src(%arg8 : memref<128x128xf32, #tpu.memory_space<vmem>>) dst(%dma_wait3A_93 : memref<10240x128xf32, #tpu.memory_space<vmem_shared>>)
        tpu.yield
      }) : () -> ()
      %dma_wait3A_72 = arith.constant 0 : i32
      %dma_wait3A_73 = arith.constant 0 : i32
      %dma_wait3A_74 = tpu.memref_slice %arg2[%add3A_5, %add3A_56, %dma_wait3A_72, %dma_wait3A_73] : memref<4x640x128x128xf32, #tpu.memory_space<hbm>> -> memref<1x1x128x128xf32, #tpu.memory_space<hbm>>
      %dma_wait3A_75 = tpu.memref_squeeze %dma_wait3A_74 : memref<1x1x128x128xf32, #tpu.memory_space<hbm>> -> memref<128x128xf32, #tpu.memory_space<hbm>>
      %dma_wait3A_76 = arith.constant 0 : i32
      %dma_wait3A_77 = arith.constant 0 : i32
      %dma_wait3A_78 = tpu.memref_slice %arg2[%add3A_5, %add3A_56, %dma_wait3A_76, %dma_wait3A_77] : memref<4x640x128x128xf32, #tpu.memory_space<hbm>> -> memref<1x1x128x128xf32, #tpu.memory_space<hbm>>
      %dma_wait3A_79 = tpu.memref_squeeze %dma_wait3A_78 : memref<1x1x128x128xf32, #tpu.memory_space<hbm>> -> memref<128x128xf32, #tpu.memory_space<hbm>>
      tpu.wait_dma2 semaphore(%arg11 : memref<!tpu.dma_semaphore, #tpu.memory_space<semaphore_mem>>) src(%dma_wait3A_79 : memref<128x128xf32, #tpu.memory_space<hbm>>) dst(%arg9 : memref<128x128xf32, #tpu.memory_space<vmem>>)
      %add3A_80 = arith.constant 1 : i32
      %add3A_81 = arith.addi %mul3A_44, %add3A_80 : i32
      "tpu.region"() ({
        %run_scoped3A = tpu.sem_alloc : memref<!tpu.dma_semaphore, #tpu.memory_space<semaphore_mem>>
        %dma_start3A_82 = arith.constant 0 : i32
        %dma_start3A_83 = tpu.memref_slice %arg7[%add3A_81, %dma_start3A_82] : memref<40x128xi32, #tpu.memory_space<vmem>> -> memref<1x128xi32, #tpu.memory_space<vmem>>
        %dma_start3A_84 = tpu.memref_squeeze %dma_start3A_83 : memref<1x128xi32, #tpu.memory_space<vmem>> -> memref<128xi32, #tpu.memory_space<vmem>>
        %dma_start3A_85 = arith.constant 0 : i32
        %dma_start3A_86 = arith.constant 0 : i32
        %dma_start3A_87 = tpu.memref_slice %arg6[%dma_start3A_85, %dma_start3A_86] : memref<10240x128xf32, #tpu.memory_space<vmem_shared>> -> memref<10240x128xf32, #tpu.memory_space<vmem_shared>>
        tpu.enqueue_indirect_dma source(%arg9 : memref<128x128xf32, #tpu.memory_space<vmem>>) target(%dma_start3A_87 : memref<10240x128xf32, #tpu.memory_space<vmem_shared>>) offsets(%dma_start3A_84 : memref<128xi32, #tpu.memory_space<vmem>>) semaphore(%run_scoped3A : memref<!tpu.dma_semaphore, #tpu.memory_space<semaphore_mem>>) {add = true}
        %dma_wait3A_88 = arith.constant 0 : i32
        %dma_wait3A_89 = tpu.memref_slice %arg7[%add3A_81, %dma_wait3A_88] : memref<40x128xi32, #tpu.memory_space<vmem>> -> memref<1x128xi32, #tpu.memory_space<vmem>>
        %dma_wait3A_90 = tpu.memref_squeeze %dma_wait3A_89 : memref<1x128xi32, #tpu.memory_space<vmem>> -> memref<128xi32, #tpu.memory_space<vmem>>
        %dma_wait3A_91 = arith.constant 0 : i32
        %dma_wait3A_92 = arith.constant 0 : i32
        %dma_wait3A_93 = tpu.memref_slice %arg6[%dma_wait3A_91, %dma_wait3A_92] : memref<10240x128xf32, #tpu.memory_space<vmem_shared>> -> memref<10240x128xf32, #tpu.memory_space<vmem_shared>>
        tpu.wait_indirect_dma semaphore(%run_scoped3A : memref<!tpu.dma_semaphore, #tpu.memory_space<semaphore_mem>>) src(%arg9 : memref<128x128xf32, #tpu.memory_space<vmem>>) dst(%dma_wait3A_93 : memref<10240x128xf32, #tpu.memory_space<vmem_shared>>)
        tpu.yield
      }) : () -> ()
    }
    %scan3A_14 = arith.constant 20 : i32
    %barrier3A_15 = arith.constant 0 : index
    tpu.barrier barrier_id(%barrier3A_15)
    %mul3A_16 = arith.constant 640 : i32
    %mul3A_17 = arith.muli %arg1, %mul3A_16 : i32
    %mul3A_18 = arith.constant 640 : i32
    %mul3A_19 = arith.muli %arg1, %mul3A_18 : i32
    "tpu.region"() ({
      %run_scoped3A = tpu.sem_alloc : memref<!tpu.dma_semaphore, #tpu.memory_space<semaphore_mem>>
      %dma_start3A = arith.constant 0 : i32
      %dma_start3A_42 = tpu.memref_slice %arg5[%add3A_5, %mul3A_19, %dma_start3A] : memref<4x10240x128xf32, #tpu.memory_space<hbm>> -> memref<1x640x128xf32, #tpu.memory_space<hbm>>
      %dma_start3A_43 = tpu.memref_squeeze %dma_start3A_42 : memref<1x640x128xf32, #tpu.memory_space<hbm>> -> memref<640x128xf32, #tpu.memory_space<hbm>>
      %dma_start3A_44 = arith.constant 0 : i32
      %dma_start3A_45 = tpu.memref_slice %arg6[%mul3A_17, %dma_start3A_44] : memref<10240x128xf32, #tpu.memory_space<vmem_shared>> -> memref<640x128xf32, #tpu.memory_space<vmem_shared>>
      tpu.enqueue_dma source(%dma_start3A_45 : memref<640x128xf32, #tpu.memory_space<vmem_shared>>) target(%dma_start3A_43 : memref<640x128xf32, #tpu.memory_space<hbm>>) target_semaphore(%run_scoped3A : memref<!tpu.dma_semaphore, #tpu.memory_space<semaphore_mem>>)
      %dma_wait3A = arith.constant 0 : i32
      %dma_wait3A_46 = tpu.memref_slice %arg5[%add3A_5, %mul3A_19, %dma_wait3A] : memref<4x10240x128xf32, #tpu.memory_space<hbm>> -> memref<1x640x128xf32, #tpu.memory_space<hbm>>
      %dma_wait3A_47 = tpu.memref_squeeze %dma_wait3A_46 : memref<1x640x128xf32, #tpu.memory_space<hbm>> -> memref<640x128xf32, #tpu.memory_space<hbm>>
      %dma_wait3A_48 = arith.constant 0 : i32
      %dma_wait3A_49 = tpu.memref_slice %arg6[%mul3A_17, %dma_wait3A_48] : memref<10240x128xf32, #tpu.memory_space<vmem_shared>> -> memref<640x128xf32, #tpu.memory_space<vmem_shared>>
      tpu.wait_dma2 semaphore(%run_scoped3A : memref<!tpu.dma_semaphore, #tpu.memory_space<semaphore_mem>>) src(%dma_wait3A_49 : memref<640x128xf32, #tpu.memory_space<vmem_shared>>) dst(%dma_wait3A_47 : memref<640x128xf32, #tpu.memory_space<hbm>>)
      tpu.yield
    }) : () -> ()
    %barrier3A_20 = arith.constant 0 : index
    tpu.barrier barrier_id(%barrier3A_20)
    %mul3A_21 = arith.constant 2 : i32
    %mul3A_22 = arith.muli %arg0, %mul3A_21 : i32
    %add3A_23 = arith.constant 1 : i32
    %add3A_24 = arith.addi %mul3A_22, %add3A_23 : i32
    %mul3A_25 = arith.constant 640 : i32
    %mul3A_26 = arith.muli %arg1, %mul3A_25 : i32
    %mul3A_27 = arith.constant 640 : i32
    %mul3A_28 = arith.muli %arg1, %mul3A_27 : i32
    "tpu.region"() ({
      %run_scoped3A = tpu.sem_alloc : memref<!tpu.dma_semaphore, #tpu.memory_space<semaphore_mem>>
      %dma_start3A = arith.constant 0 : i32
      %dma_start3A_42 = tpu.memref_slice %arg6[%mul3A_28, %dma_start3A] : memref<10240x128xf32, #tpu.memory_space<vmem_shared>> -> memref<640x128xf32, #tpu.memory_space<vmem_shared>>
      %dma_start3A_43 = arith.constant 0 : i32
      %dma_start3A_44 = tpu.memref_slice %arg4[%add3A_24, %mul3A_26, %dma_start3A_43] : memref<4x10240x128xf32, #tpu.memory_space<hbm>> -> memref<1x640x128xf32, #tpu.memory_space<hbm>>
      %dma_start3A_45 = tpu.memref_squeeze %dma_start3A_44 : memref<1x640x128xf32, #tpu.memory_space<hbm>> -> memref<640x128xf32, #tpu.memory_space<hbm>>
      tpu.enqueue_dma source(%dma_start3A_45 : memref<640x128xf32, #tpu.memory_space<hbm>>) target(%dma_start3A_42 : memref<640x128xf32, #tpu.memory_space<vmem_shared>>) target_semaphore(%run_scoped3A : memref<!tpu.dma_semaphore, #tpu.memory_space<semaphore_mem>>)
      %dma_wait3A = arith.constant 0 : i32
      %dma_wait3A_46 = tpu.memref_slice %arg6[%mul3A_28, %dma_wait3A] : memref<10240x128xf32, #tpu.memory_space<vmem_shared>> -> memref<640x128xf32, #tpu.memory_space<vmem_shared>>
      %dma_wait3A_47 = arith.constant 0 : i32
      %dma_wait3A_48 = tpu.memref_slice %arg4[%add3A_24, %mul3A_26, %dma_wait3A_47] : memref<4x10240x128xf32, #tpu.memory_space<hbm>> -> memref<1x640x128xf32, #tpu.memory_space<hbm>>
      %dma_wait3A_49 = tpu.memref_squeeze %dma_wait3A_48 : memref<1x640x128xf32, #tpu.memory_space<hbm>> -> memref<640x128xf32, #tpu.memory_space<hbm>>
      tpu.wait_dma2 semaphore(%run_scoped3A : memref<!tpu.dma_semaphore, #tpu.memory_space<semaphore_mem>>) src(%dma_wait3A_49 : memref<640x128xf32, #tpu.memory_space<hbm>>) dst(%dma_wait3A_46 : memref<640x128xf32, #tpu.memory_space<vmem_shared>>)
      tpu.yield
    }) : () -> ()
    %barrier3A_29 = arith.constant 0 : index
    tpu.barrier barrier_id(%barrier3A_29)
    %scan3A_30 = arith.constant 0 : i32
    %scan3A_31 = arith.constant 0 : i32
    %scan3A_32 = arith.constant 20 : i32
    %scan3A_33 = arith.addi %scan3A_31, %scan3A_32 : i32
    %scan3A_34 = arith.constant 1 : i32
    scf.for %scan3A_42 = %scan3A_31 to %scan3A_33 step %scan3A_34  : i32 {
      %mul3A_43 = arith.constant 2 : i32
      %mul3A_44 = arith.muli %scan3A_42, %mul3A_43 : i32
      %mul3A_45 = arith.constant 40 : i32
      %mul3A_46 = arith.muli %arg1, %mul3A_45 : i32
      %add3A_47 = arith.addi %mul3A_46, %mul3A_44 : i32
      %dma_start3A = arith.constant 0 : i32
      %dma_start3A_48 = arith.constant 0 : i32
      %dma_start3A_49 = tpu.memref_slice %arg2[%add3A_24, %add3A_47, %dma_start3A, %dma_start3A_48] : memref<4x640x128x128xf32, #tpu.memory_space<hbm>> -> memref<1x1x128x128xf32, #tpu.memory_space<hbm>>
      %dma_start3A_50 = tpu.memref_squeeze %dma_start3A_49 : memref<1x1x128x128xf32, #tpu.memory_space<hbm>> -> memref<128x128xf32, #tpu.memory_space<hbm>>
      %dma_start3A_51 = arith.constant 0 : i32
      %dma_start3A_52 = arith.constant 0 : i32
      %dma_start3A_53 = tpu.memref_slice %arg2[%add3A_24, %add3A_47, %dma_start3A_51, %dma_start3A_52] : memref<4x640x128x128xf32, #tpu.memory_space<hbm>> -> memref<1x1x128x128xf32, #tpu.memory_space<hbm>>
      %dma_start3A_54 = tpu.memref_squeeze %dma_start3A_53 : memref<1x1x128x128xf32, #tpu.memory_space<hbm>> -> memref<128x128xf32, #tpu.memory_space<hbm>>
      tpu.enqueue_dma source(%dma_start3A_54 : memref<128x128xf32, #tpu.memory_space<hbm>>) target(%arg8 : memref<128x128xf32, #tpu.memory_space<vmem>>) target_semaphore(%arg10 : memref<!tpu.dma_semaphore, #tpu.memory_space<semaphore_mem>>)
      %add3A_55 = arith.constant 1 : i32
      %add3A_56 = arith.addi %add3A_47, %add3A_55 : i32
      %dma_start3A_57 = arith.constant 0 : i32
      %dma_start3A_58 = arith.constant 0 : i32
      %dma_start3A_59 = tpu.memref_slice %arg2[%add3A_24, %add3A_56, %dma_start3A_57, %dma_start3A_58] : memref<4x640x128x128xf32, #tpu.memory_space<hbm>> -> memref<1x1x128x128xf32, #tpu.memory_space<hbm>>
      %dma_start3A_60 = tpu.memref_squeeze %dma_start3A_59 : memref<1x1x128x128xf32, #tpu.memory_space<hbm>> -> memref<128x128xf32, #tpu.memory_space<hbm>>
      %dma_start3A_61 = arith.constant 0 : i32
      %dma_start3A_62 = arith.constant 0 : i32
      %dma_start3A_63 = tpu.memref_slice %arg2[%add3A_24, %add3A_56, %dma_start3A_61, %dma_start3A_62] : memref<4x640x128x128xf32, #tpu.memory_space<hbm>> -> memref<1x1x128x128xf32, #tpu.memory_space<hbm>>
      %dma_start3A_64 = tpu.memref_squeeze %dma_start3A_63 : memref<1x1x128x128xf32, #tpu.memory_space<hbm>> -> memref<128x128xf32, #tpu.memory_space<hbm>>
      tpu.enqueue_dma source(%dma_start3A_64 : memref<128x128xf32, #tpu.memory_space<hbm>>) target(%arg9 : memref<128x128xf32, #tpu.memory_space<vmem>>) target_semaphore(%arg11 : memref<!tpu.dma_semaphore, #tpu.memory_space<semaphore_mem>>)
      %dma_wait3A = arith.constant 0 : i32
      %dma_wait3A_65 = arith.constant 0 : i32
      %dma_wait3A_66 = tpu.memref_slice %arg2[%add3A_24, %add3A_47, %dma_wait3A, %dma_wait3A_65] : memref<4x640x128x128xf32, #tpu.memory_space<hbm>> -> memref<1x1x128x128xf32, #tpu.memory_space<hbm>>
      %dma_wait3A_67 = tpu.memref_squeeze %dma_wait3A_66 : memref<1x1x128x128xf32, #tpu.memory_space<hbm>> -> memref<128x128xf32, #tpu.memory_space<hbm>>
      %dma_wait3A_68 = arith.constant 0 : i32
      %dma_wait3A_69 = arith.constant 0 : i32
      %dma_wait3A_70 = tpu.memref_slice %arg2[%add3A_24, %add3A_47, %dma_wait3A_68, %dma_wait3A_69] : memref<4x640x128x128xf32, #tpu.memory_space<hbm>> -> memref<1x1x128x128xf32, #tpu.memory_space<hbm>>
      %dma_wait3A_71 = tpu.memref_squeeze %dma_wait3A_70 : memref<1x1x128x128xf32, #tpu.memory_space<hbm>> -> memref<128x128xf32, #tpu.memory_space<hbm>>
      tpu.wait_dma2 semaphore(%arg10 : memref<!tpu.dma_semaphore, #tpu.memory_space<semaphore_mem>>) src(%dma_wait3A_71 : memref<128x128xf32, #tpu.memory_space<hbm>>) dst(%arg8 : memref<128x128xf32, #tpu.memory_space<vmem>>)
      "tpu.region"() ({
        %run_scoped3A = tpu.sem_alloc : memref<!tpu.dma_semaphore, #tpu.memory_space<semaphore_mem>>
        %dma_start3A_82 = arith.constant 0 : i32
        %dma_start3A_83 = tpu.memref_slice %arg7[%mul3A_44, %dma_start3A_82] : memref<40x128xi32, #tpu.memory_space<vmem>> -> memref<1x128xi32, #tpu.memory_space<vmem>>
        %dma_start3A_84 = tpu.memref_squeeze %dma_start3A_83 : memref<1x128xi32, #tpu.memory_space<vmem>> -> memref<128xi32, #tpu.memory_space<vmem>>
        %dma_start3A_85 = arith.constant 0 : i32
        %dma_start3A_86 = arith.constant 0 : i32
        %dma_start3A_87 = tpu.memref_slice %arg6[%dma_start3A_85, %dma_start3A_86] : memref<10240x128xf32, #tpu.memory_space<vmem_shared>> -> memref<10240x128xf32, #tpu.memory_space<vmem_shared>>
        tpu.enqueue_indirect_dma source(%arg8 : memref<128x128xf32, #tpu.memory_space<vmem>>) target(%dma_start3A_87 : memref<10240x128xf32, #tpu.memory_space<vmem_shared>>) offsets(%dma_start3A_84 : memref<128xi32, #tpu.memory_space<vmem>>) semaphore(%run_scoped3A : memref<!tpu.dma_semaphore, #tpu.memory_space<semaphore_mem>>) {add = true}
        %dma_wait3A_88 = arith.constant 0 : i32
        %dma_wait3A_89 = tpu.memref_slice %arg7[%mul3A_44, %dma_wait3A_88] : memref<40x128xi32, #tpu.memory_space<vmem>> -> memref<1x128xi32, #tpu.memory_space<vmem>>
        %dma_wait3A_90 = tpu.memref_squeeze %dma_wait3A_89 : memref<1x128xi32, #tpu.memory_space<vmem>> -> memref<128xi32, #tpu.memory_space<vmem>>
        %dma_wait3A_91 = arith.constant 0 : i32
        %dma_wait3A_92 = arith.constant 0 : i32
        %dma_wait3A_93 = tpu.memref_slice %arg6[%dma_wait3A_91, %dma_wait3A_92] : memref<10240x128xf32, #tpu.memory_space<vmem_shared>> -> memref<10240x128xf32, #tpu.memory_space<vmem_shared>>
        tpu.wait_indirect_dma semaphore(%run_scoped3A : memref<!tpu.dma_semaphore, #tpu.memory_space<semaphore_mem>>) src(%arg8 : memref<128x128xf32, #tpu.memory_space<vmem>>) dst(%dma_wait3A_93 : memref<10240x128xf32, #tpu.memory_space<vmem_shared>>)
        tpu.yield
      }) : () -> ()
      %dma_wait3A_72 = arith.constant 0 : i32
      %dma_wait3A_73 = arith.constant 0 : i32
      %dma_wait3A_74 = tpu.memref_slice %arg2[%add3A_24, %add3A_56, %dma_wait3A_72, %dma_wait3A_73] : memref<4x640x128x128xf32, #tpu.memory_space<hbm>> -> memref<1x1x128x128xf32, #tpu.memory_space<hbm>>
      %dma_wait3A_75 = tpu.memref_squeeze %dma_wait3A_74 : memref<1x1x128x128xf32, #tpu.memory_space<hbm>> -> memref<128x128xf32, #tpu.memory_space<hbm>>
      %dma_wait3A_76 = arith.constant 0 : i32
      %dma_wait3A_77 = arith.constant 0 : i32
      %dma_wait3A_78 = tpu.memref_slice %arg2[%add3A_24, %add3A_56, %dma_wait3A_76, %dma_wait3A_77] : memref<4x640x128x128xf32, #tpu.memory_space<hbm>> -> memref<1x1x128x128xf32, #tpu.memory_space<hbm>>
      %dma_wait3A_79 = tpu.memref_squeeze %dma_wait3A_78 : memref<1x1x128x128xf32, #tpu.memory_space<hbm>> -> memref<128x128xf32, #tpu.memory_space<hbm>>
      tpu.wait_dma2 semaphore(%arg11 : memref<!tpu.dma_semaphore, #tpu.memory_space<semaphore_mem>>) src(%dma_wait3A_79 : memref<128x128xf32, #tpu.memory_space<hbm>>) dst(%arg9 : memref<128x128xf32, #tpu.memory_space<vmem>>)
      %add3A_80 = arith.constant 1 : i32
      %add3A_81 = arith.addi %mul3A_44, %add3A_80 : i32
      "tpu.region"() ({
        %run_scoped3A = tpu.sem_alloc : memref<!tpu.dma_semaphore, #tpu.memory_space<semaphore_mem>>
        %dma_start3A_82 = arith.constant 0 : i32
        %dma_start3A_83 = tpu.memref_slice %arg7[%add3A_81, %dma_start3A_82] : memref<40x128xi32, #tpu.memory_space<vmem>> -> memref<1x128xi32, #tpu.memory_space<vmem>>
        %dma_start3A_84 = tpu.memref_squeeze %dma_start3A_83 : memref<1x128xi32, #tpu.memory_space<vmem>> -> memref<128xi32, #tpu.memory_space<vmem>>
        %dma_start3A_85 = arith.constant 0 : i32
        %dma_start3A_86 = arith.constant 0 : i32
        %dma_start3A_87 = tpu.memref_slice %arg6[%dma_start3A_85, %dma_start3A_86] : memref<10240x128xf32, #tpu.memory_space<vmem_shared>> -> memref<10240x128xf32, #tpu.memory_space<vmem_shared>>
        tpu.enqueue_indirect_dma source(%arg9 : memref<128x128xf32, #tpu.memory_space<vmem>>) target(%dma_start3A_87 : memref<10240x128xf32, #tpu.memory_space<vmem_shared>>) offsets(%dma_start3A_84 : memref<128xi32, #tpu.memory_space<vmem>>) semaphore(%run_scoped3A : memref<!tpu.dma_semaphore, #tpu.memory_space<semaphore_mem>>) {add = true}
        %dma_wait3A_88 = arith.constant 0 : i32
        %dma_wait3A_89 = tpu.memref_slice %arg7[%add3A_81, %dma_wait3A_88] : memref<40x128xi32, #tpu.memory_space<vmem>> -> memref<1x128xi32, #tpu.memory_space<vmem>>
        %dma_wait3A_90 = tpu.memref_squeeze %dma_wait3A_89 : memref<1x128xi32, #tpu.memory_space<vmem>> -> memref<128xi32, #tpu.memory_space<vmem>>
        %dma_wait3A_91 = arith.constant 0 : i32
        %dma_wait3A_92 = arith.constant 0 : i32
        %dma_wait3A_93 = tpu.memref_slice %arg6[%dma_wait3A_91, %dma_wait3A_92] : memref<10240x128xf32, #tpu.memory_space<vmem_shared>> -> memref<10240x128xf32, #tpu.memory_space<vmem_shared>>
        tpu.wait_indirect_dma semaphore(%run_scoped3A : memref<!tpu.dma_semaphore, #tpu.memory_space<semaphore_mem>>) src(%arg9 : memref<128x128xf32, #tpu.memory_space<vmem>>) dst(%dma_wait3A_93 : memref<10240x128xf32, #tpu.memory_space<vmem_shared>>)
        tpu.yield
      }) : () -> ()
    }
    %scan3A_35 = arith.constant 20 : i32
    %barrier3A_36 = arith.constant 0 : index
    tpu.barrier barrier_id(%barrier3A_36)
    %mul3A_37 = arith.constant 640 : i32
    %mul3A_38 = arith.muli %arg1, %mul3A_37 : i32
    %mul3A_39 = arith.constant 640 : i32
    %mul3A_40 = arith.muli %arg1, %mul3A_39 : i32
    "tpu.region"() ({
      %run_scoped3A = tpu.sem_alloc : memref<!tpu.dma_semaphore, #tpu.memory_space<semaphore_mem>>
      %dma_start3A = arith.constant 0 : i32
      %dma_start3A_42 = tpu.memref_slice %arg5[%add3A_24, %mul3A_40, %dma_start3A] : memref<4x10240x128xf32, #tpu.memory_space<hbm>> -> memref<1x640x128xf32, #tpu.memory_space<hbm>>
      %dma_start3A_43 = tpu.memref_squeeze %dma_start3A_42 : memref<1x640x128xf32, #tpu.memory_space<hbm>> -> memref<640x128xf32, #tpu.memory_space<hbm>>
      %dma_start3A_44 = arith.constant 0 : i32
      %dma_start3A_45 = tpu.memref_slice %arg6[%mul3A_38, %dma_start3A_44] : memref<10240x128xf32, #tpu.memory_space<vmem_shared>> -> memref<640x128xf32, #tpu.memory_space<vmem_shared>>
      tpu.enqueue_dma source(%dma_start3A_45 : memref<640x128xf32, #tpu.memory_space<vmem_shared>>) target(%dma_start3A_43 : memref<640x128xf32, #tpu.memory_space<hbm>>) target_semaphore(%run_scoped3A : memref<!tpu.dma_semaphore, #tpu.memory_space<semaphore_mem>>)
      %dma_wait3A = arith.constant 0 : i32
      %dma_wait3A_46 = tpu.memref_slice %arg5[%add3A_24, %mul3A_40, %dma_wait3A] : memref<4x10240x128xf32, #tpu.memory_space<hbm>> -> memref<1x640x128xf32, #tpu.memory_space<hbm>>
      %dma_wait3A_47 = tpu.memref_squeeze %dma_wait3A_46 : memref<1x640x128xf32, #tpu.memory_space<hbm>> -> memref<640x128xf32, #tpu.memory_space<hbm>>
      %dma_wait3A_48 = arith.constant 0 : i32
      %dma_wait3A_49 = tpu.memref_slice %arg6[%mul3A_38, %dma_wait3A_48] : memref<10240x128xf32, #tpu.memory_space<vmem_shared>> -> memref<640x128xf32, #tpu.memory_space<vmem_shared>>
      tpu.wait_dma2 semaphore(%run_scoped3A : memref<!tpu.dma_semaphore, #tpu.memory_space<semaphore_mem>>) src(%dma_wait3A_49 : memref<640x128xf32, #tpu.memory_space<vmem_shared>>) dst(%dma_wait3A_47 : memref<640x128xf32, #tpu.memory_space<hbm>>)
      tpu.yield
    }) : () -> ()
    %barrier3A_41 = arith.constant 0 : index
    tpu.barrier barrier_id(%barrier3A_41)
    return
  }
}

#map = affine_map<(d0, d1) -> (0, 0, 0, 0)>
#map1 = affine_map<(d0, d1) -> (0, 0)>
#map2 = affine_map<(d0, d1) -> (0, 0, 0)>
module attributes {stable_mosaic.version = 14 : i64} {
  func.func @body_fn(%arg0: i32, %arg1: i32, %arg2: memref<4x640x128x128xf32, #tpu.memory_space<hbm>>, %arg3: memref<1280x128xi32, #tpu.memory_space<hbm>>, %arg4: memref<4x10240x128xf32, #tpu.memory_space<hbm>>, %arg5: memref<4x10240x128xf32, #tpu.memory_space<hbm>>, %arg6: memref<10240x128xf32, #tpu.memory_space<vmem_shared>>, %arg7: memref<40x128xi32, #tpu.memory_space<vmem>>, %arg8: memref<128x128xf32, #tpu.memory_space<vmem>>, %arg9: memref<128x128xf32, #tpu.memory_space<vmem>>, %arg10: memref<!tpu.dma_semaphore, #tpu.memory_space<semaphore_mem>>, %arg11: memref<!tpu.dma_semaphore, #tpu.memory_space<semaphore_mem>>) attributes {dimension_semantics = [#tpu.dimension_semantics<core_parallel>, #tpu.dimension_semantics<subcore_parallel>], iteration_bounds = array<i64: 2, 16>, scalar_prefetch = 0 : i64, scratch_operands = 6 : i64, tpu.core_type = #tpu.core_type<sc_vector_subcore>, window_params = [{transform_indices = #map}, {transform_indices = #map1}, {transform_indices = #map2}, {transform_indices = #map2}]} {
    %mul3A = arith.constant 40 : i32
    %mul3A_0 = arith.muli %arg1, %mul3A : i32
    %add3A = arith.constant 0 : i32
    %add3A_1 = arith.addi %add3A, %mul3A_0 : i32
    "tpu.region"() ({
      %run_scoped3A = tpu.sem_alloc : memref<!tpu.dma_semaphore, #tpu.memory_space<semaphore_mem>>
      %dma_start3A = arith.constant 0 : i32
      %dma_start3A_42 = tpu.memref_slice %arg3[%add3A_1, %dma_start3A] : memref<1280x128xi32, #tpu.memory_space<hbm>> -> memref<40x128xi32, #tpu.memory_space<hbm>>
      %dma_start3A_43 = arith.constant 0 : i32
      %dma_start3A_44 = tpu.memref_slice %arg3[%add3A_1, %dma_start3A_43] : memref<1280x128xi32, #tpu.memory_space<hbm>> -> memref<40x128xi32, #tpu.memory_space<hbm>>
      tpu.enqueue_dma source(%dma_start3A_44 : memref<40x128xi32, #tpu.memory_space<hbm>>) target(%arg7 : memref<40x128xi32, #tpu.memory_space<vmem>>) target_semaphore(%run_scoped3A : memref<!tpu.dma_semaphore, #tpu.memory_space<semaphore_mem>>)
      %dma_wait3A = arith.constant 0 : i32
      %dma_wait3A_45 = tpu.memref_slice %arg3[%add3A_1, %dma_wait3A] : memref<1280x128xi32, #tpu.memory_space<hbm>> -> memref<40x128xi32, #tpu.memory_space<hbm>>
      %dma_wait3A_46 = arith.constant 0 : i32
      %dma_wait3A_47 = tpu.memref_slice %arg3[%add3A_1, %dma_wait3A_46] : memref<1280x128xi32, #tpu.memory_space<hbm>> -> memref<40x128xi32, #tpu.memory_space<hbm>>
      tpu.wait_dma2 semaphore(%run_scoped3A : memref<!tpu.dma_semaphore, #tpu.memory_space<semaphore_mem>>) src(%dma_wait3A_47 : memref<40x128xi32, #tpu.memory_space<hbm>>) dst(%arg7 : memref<40x128xi32, #tpu.memory_space<vmem>>)
      tpu.yield
    }) : () -> ()
    %mul3A_2 = arith.constant 2 : i32
    %mul3A_3 = arith.muli %arg0, %mul3A_2 : i32
    %add3A_4 = arith.constant 0 : i32
    %add3A_5 = arith.addi %mul3A_3, %add3A_4 : i32
    %mul3A_6 = arith.constant 640 : i32
    %mul3A_7 = arith.muli %arg1, %mul3A_6 : i32
    %mul3A_8 = arith.constant 640 : i32
    %mul3A_9 = arith.muli %arg1, %mul3A_8 : i32
    "tpu.region"() ({
      %run_scoped3A = tpu.sem_alloc : memref<!tpu.dma_semaphore, #tpu.memory_space<semaphore_mem>>
      %dma_start3A = arith.constant 0 : i32
      %dma_start3A_42 = tpu.memref_slice %arg6[%mul3A_9, %dma_start3A] : memref<10240x128xf32, #tpu.memory_space<vmem_shared>> -> memref<640x128xf32, #tpu.memory_space<vmem_shared>>
      %dma_start3A_43 = arith.constant 0 : i32
      %dma_start3A_44 = tpu.memref_slice %arg4[%add3A_5, %mul3A_7, %dma_start3A_43] : memref<4x10240x128xf32, #tpu.memory_space<hbm>> -> memref<1x640x128xf32, #tpu.memory_space<hbm>>
      %dma_start3A_45 = tpu.memref_squeeze %dma_start3A_44 : memref<1x640x128xf32, #tpu.memory_space<hbm>> -> memref<640x128xf32, #tpu.memory_space<hbm>>
      tpu.enqueue_dma source(%dma_start3A_45 : memref<640x128xf32, #tpu.memory_space<hbm>>) target(%dma_start3A_42 : memref<640x128xf32, #tpu.memory_space<vmem_shared>>) target_semaphore(%run_scoped3A : memref<!tpu.dma_semaphore, #tpu.memory_space<semaphore_mem>>)
      %dma_wait3A = arith.constant 0 : i32
      %dma_wait3A_46 = tpu.memref_slice %arg6[%mul3A_9, %dma_wait3A] : memref<10240x128xf32, #tpu.memory_space<vmem_shared>> -> memref<640x128xf32, #tpu.memory_space<vmem_shared>>
      %dma_wait3A_47 = arith.constant 0 : i32
      %dma_wait3A_48 = tpu.memref_slice %arg4[%add3A_5, %mul3A_7, %dma_wait3A_47] : memref<4x10240x128xf32, #tpu.memory_space<hbm>> -> memref<1x640x128xf32, #tpu.memory_space<hbm>>
      %dma_wait3A_49 = tpu.memref_squeeze %dma_wait3A_48 : memref<1x640x128xf32, #tpu.memory_space<hbm>> -> memref<640x128xf32, #tpu.memory_space<hbm>>
      tpu.wait_dma2 semaphore(%run_scoped3A : memref<!tpu.dma_semaphore, #tpu.memory_space<semaphore_mem>>) src(%dma_wait3A_49 : memref<640x128xf32, #tpu.memory_space<hbm>>) dst(%dma_wait3A_46 : memref<640x128xf32, #tpu.memory_space<vmem_shared>>)
      tpu.yield
    }) : () -> ()
    %barrier3A = arith.constant 0 : index
    tpu.barrier barrier_id(%barrier3A)
    %scan3A = arith.constant 0 : i32
    %scan3A_10 = arith.constant 0 : i32
    %scan3A_11 = arith.constant 20 : i32
    %scan3A_12 = arith.addi %scan3A_10, %scan3A_11 : i32
    %scan3A_13 = arith.constant 1 : i32
    scf.for %scan3A_42 = %scan3A_10 to %scan3A_12 step %scan3A_13  : i32 {
      %mul3A_43 = arith.constant 2 : i32
      %mul3A_44 = arith.muli %scan3A_42, %mul3A_43 : i32
      %mul3A_45 = arith.constant 40 : i32
      %mul3A_46 = arith.muli %arg1, %mul3A_45 : i32
      %add3A_47 = arith.addi %mul3A_46, %mul3A_44 : i32
      %dma_start3A = arith.constant 0 : i32
      %dma_start3A_48 = arith.constant 0 : i32
      %dma_start3A_49 = tpu.memref_slice %arg2[%add3A_5, %add3A_47, %dma_start3A, %dma_start3A_48] : memref<4x640x128x128xf32, #tpu.memory_space<hbm>> -> memref<1x1x128x128xf32, #tpu.memory_space<hbm>>
      %dma_start3A_50 = tpu.memref_squeeze %dma_start3A_49 : memref<1x1x128x128xf32, #tpu.memory_space<hbm>> -> memref<128x128xf32, #tpu.memory_space<hbm>>
      %dma_start3A_51 = arith.constant 0 : i32
      %dma_start3A_52 = arith.constant 0 : i32
      %dma_start3A_53 = tpu.memref_slice %arg2[%add3A_5, %add3A_47, %dma_start3A_51, %dma_start3A_52] : memref<4x640x128x128xf32, #tpu.memory_space<hbm>> -> memref<1x1x128x128xf32, #tpu.memory_space<hbm>>
      %dma_start3A_54 = tpu.memref_squeeze %dma_start3A_53 : memref<1x1x128x128xf32, #tpu.memory_space<hbm>> -> memref<128x128xf32, #tpu.memory_space<hbm>>
      tpu.enqueue_dma source(%dma_start3A_54 : memref<128x128xf32, #tpu.memory_space<hbm>>) target(%arg8 : memref<128x128xf32, #tpu.memory_space<vmem>>) target_semaphore(%arg10 : memref<!tpu.dma_semaphore, #tpu.memory_space<semaphore_mem>>)
      %add3A_55 = arith.constant 1 : i32
      %add3A_56 = arith.addi %add3A_47, %add3A_55 : i32
      %dma_start3A_57 = arith.constant 0 : i32
      %dma_start3A_58 = arith.constant 0 : i32
      %dma_start3A_59 = tpu.memref_slice %arg2[%add3A_5, %add3A_56, %dma_start3A_57, %dma_start3A_58] : memref<4x640x128x128xf32, #tpu.memory_space<hbm>> -> memref<1x1x128x128xf32, #tpu.memory_space<hbm>>
      %dma_start3A_60 = tpu.memref_squeeze %dma_start3A_59 : memref<1x1x128x128xf32, #tpu.memory_space<hbm>> -> memref<128x128xf32, #tpu.memory_space<hbm>>
      %dma_start3A_61 = arith.constant 0 : i32
      %dma_start3A_62 = arith.constant 0 : i32
      %dma_start3A_63 = tpu.memref_slice %arg2[%add3A_5, %add3A_56, %dma_start3A_61, %dma_start3A_62] : memref<4x640x128x128xf32, #tpu.memory_space<hbm>> -> memref<1x1x128x128xf32, #tpu.memory_space<hbm>>
      %dma_start3A_64 = tpu.memref_squeeze %dma_start3A_63 : memref<1x1x128x128xf32, #tpu.memory_space<hbm>> -> memref<128x128xf32, #tpu.memory_space<hbm>>
      tpu.enqueue_dma source(%dma_start3A_64 : memref<128x128xf32, #tpu.memory_space<hbm>>) target(%arg9 : memref<128x128xf32, #tpu.memory_space<vmem>>) target_semaphore(%arg11 : memref<!tpu.dma_semaphore, #tpu.memory_space<semaphore_mem>>)
      %dma_wait3A = arith.constant 0 : i32
      %dma_wait3A_65 = arith.constant 0 : i32
      %dma_wait3A_66 = tpu.memref_slice %arg2[%add3A_5, %add3A_47, %dma_wait3A, %dma_wait3A_65] : memref<4x640x128x128xf32, #tpu.memory_space<hbm>> -> memref<1x1x128x128xf32, #tpu.memory_space<hbm>>
      %dma_wait3A_67 = tpu.memref_squeeze %dma_wait3A_66 : memref<1x1x128x128xf32, #tpu.memory_space<hbm>> -> memref<128x128xf32, #tpu.memory_space<hbm>>
      %dma_wait3A_68 = arith.constant 0 : i32
      %dma_wait3A_69 = arith.constant 0 : i32
      %dma_wait3A_70 = tpu.memref_slice %arg2[%add3A_5, %add3A_47, %dma_wait3A_68, %dma_wait3A_69] : memref<4x640x128x128xf32, #tpu.memory_space<hbm>> -> memref<1x1x128x128xf32, #tpu.memory_space<hbm>>
      %dma_wait3A_71 = tpu.memref_squeeze %dma_wait3A_70 : memref<1x1x128x128xf32, #tpu.memory_space<hbm>> -> memref<128x128xf32, #tpu.memory_space<hbm>>
      tpu.wait_dma2 semaphore(%arg10 : memref<!tpu.dma_semaphore, #tpu.memory_space<semaphore_mem>>) src(%dma_wait3A_71 : memref<128x128xf32, #tpu.memory_space<hbm>>) dst(%arg8 : memref<128x128xf32, #tpu.memory_space<vmem>>)
      "tpu.region"() ({
        %run_scoped3A = tpu.sem_alloc : memref<!tpu.dma_semaphore, #tpu.memory_space<semaphore_mem>>
        %dma_start3A_82 = arith.constant 0 : i32
        %dma_start3A_83 = tpu.memref_slice %arg7[%mul3A_44, %dma_start3A_82] : memref<40x128xi32, #tpu.memory_space<vmem>> -> memref<1x128xi32, #tpu.memory_space<vmem>>
        %dma_start3A_84 = tpu.memref_squeeze %dma_start3A_83 : memref<1x128xi32, #tpu.memory_space<vmem>> -> memref<128xi32, #tpu.memory_space<vmem>>
        %dma_start3A_85 = arith.constant 0 : i32
        %dma_start3A_86 = arith.constant 0 : i32
        %dma_start3A_87 = tpu.memref_slice %arg6[%dma_start3A_85, %dma_start3A_86] : memref<10240x128xf32, #tpu.memory_space<vmem_shared>> -> memref<10240x128xf32, #tpu.memory_space<vmem_shared>>
        tpu.enqueue_indirect_dma source(%arg8 : memref<128x128xf32, #tpu.memory_space<vmem>>) target(%dma_start3A_87 : memref<10240x128xf32, #tpu.memory_space<vmem_shared>>) offsets(%dma_start3A_84 : memref<128xi32, #tpu.memory_space<vmem>>) semaphore(%run_scoped3A : memref<!tpu.dma_semaphore, #tpu.memory_space<semaphore_mem>>) {add = true}
        %dma_wait3A_88 = arith.constant 0 : i32
        %dma_wait3A_89 = tpu.memref_slice %arg7[%mul3A_44, %dma_wait3A_88] : memref<40x128xi32, #tpu.memory_space<vmem>> -> memref<1x128xi32, #tpu.memory_space<vmem>>
        %dma_wait3A_90 = tpu.memref_squeeze %dma_wait3A_89 : memref<1x128xi32, #tpu.memory_space<vmem>> -> memref<128xi32, #tpu.memory_space<vmem>>
        %dma_wait3A_91 = arith.constant 0 : i32
        %dma_wait3A_92 = arith.constant 0 : i32
        %dma_wait3A_93 = tpu.memref_slice %arg6[%dma_wait3A_91, %dma_wait3A_92] : memref<10240x128xf32, #tpu.memory_space<vmem_shared>> -> memref<10240x128xf32, #tpu.memory_space<vmem_shared>>
        tpu.wait_indirect_dma semaphore(%run_scoped3A : memref<!tpu.dma_semaphore, #tpu.memory_space<semaphore_mem>>) src(%arg8 : memref<128x128xf32, #tpu.memory_space<vmem>>) dst(%dma_wait3A_93 : memref<10240x128xf32, #tpu.memory_space<vmem_shared>>)
        tpu.yield
      }) : () -> ()
      %dma_wait3A_72 = arith.constant 0 : i32
      %dma_wait3A_73 = arith.constant 0 : i32
      %dma_wait3A_74 = tpu.memref_slice %arg2[%add3A_5, %add3A_56, %dma_wait3A_72, %dma_wait3A_73] : memref<4x640x128x128xf32, #tpu.memory_space<hbm>> -> memref<1x1x128x128xf32, #tpu.memory_space<hbm>>
      %dma_wait3A_75 = tpu.memref_squeeze %dma_wait3A_74 : memref<1x1x128x128xf32, #tpu.memory_space<hbm>> -> memref<128x128xf32, #tpu.memory_space<hbm>>
      %dma_wait3A_76 = arith.constant 0 : i32
      %dma_wait3A_77 = arith.constant 0 : i32
      %dma_wait3A_78 = tpu.memref_slice %arg2[%add3A_5, %add3A_56, %dma_wait3A_76, %dma_wait3A_77] : memref<4x640x128x128xf32, #tpu.memory_space<hbm>> -> memref<1x1x128x128xf32, #tpu.memory_space<hbm>>
      %dma_wait3A_79 = tpu.memref_squeeze %dma_wait3A_78 : memref<1x1x128x128xf32, #tpu.memory_space<hbm>> -> memref<128x128xf32, #tpu.memory_space<hbm>>
      tpu.wait_dma2 semaphore(%arg11 : memref<!tpu.dma_semaphore, #tpu.memory_space<semaphore_mem>>) src(%dma_wait3A_79 : memref<128x128xf32, #tpu.memory_space<hbm>>) dst(%arg9 : memref<128x128xf32, #tpu.memory_space<vmem>>)
      %add3A_80 = arith.constant 1 : i32
      %add3A_81 = arith.addi %mul3A_44, %add3A_80 : i32
      "tpu.region"() ({
        %run_scoped3A = tpu.sem_alloc : memref<!tpu.dma_semaphore, #tpu.memory_space<semaphore_mem>>
        %dma_start3A_82 = arith.constant 0 : i32
        %dma_start3A_83 = tpu.memref_slice %arg7[%add3A_81, %dma_start3A_82] : memref<40x128xi32, #tpu.memory_space<vmem>> -> memref<1x128xi32, #tpu.memory_space<vmem>>
        %dma_start3A_84 = tpu.memref_squeeze %dma_start3A_83 : memref<1x128xi32, #tpu.memory_space<vmem>> -> memref<128xi32, #tpu.memory_space<vmem>>
        %dma_start3A_85 = arith.constant 0 : i32
        %dma_start3A_86 = arith.constant 0 : i32
        %dma_start3A_87 = tpu.memref_slice %arg6[%dma_start3A_85, %dma_start3A_86] : memref<10240x128xf32, #tpu.memory_space<vmem_shared>> -> memref<10240x128xf32, #tpu.memory_space<vmem_shared>>
        tpu.enqueue_indirect_dma source(%arg9 : memref<128x128xf32, #tpu.memory_space<vmem>>) target(%dma_start3A_87 : memref<10240x128xf32, #tpu.memory_space<vmem_shared>>) offsets(%dma_start3A_84 : memref<128xi32, #tpu.memory_space<vmem>>) semaphore(%run_scoped3A : memref<!tpu.dma_semaphore, #tpu.memory_space<semaphore_mem>>) {add = true}
        %dma_wait3A_88 = arith.constant 0 : i32
        %dma_wait3A_89 = tpu.memref_slice %arg7[%add3A_81, %dma_wait3A_88] : memref<40x128xi32, #tpu.memory_space<vmem>> -> memref<1x128xi32, #tpu.memory_space<vmem>>
        %dma_wait3A_90 = tpu.memref_squeeze %dma_wait3A_89 : memref<1x128xi32, #tpu.memory_space<vmem>> -> memref<128xi32, #tpu.memory_space<vmem>>
        %dma_wait3A_91 = arith.constant 0 : i32
        %dma_wait3A_92 = arith.constant 0 : i32
        %dma_wait3A_93 = tpu.memref_slice %arg6[%dma_wait3A_91, %dma_wait3A_92] : memref<10240x128xf32, #tpu.memory_space<vmem_shared>> -> memref<10240x128xf32, #tpu.memory_space<vmem_shared>>
        tpu.wait_indirect_dma semaphore(%run_scoped3A : memref<!tpu.dma_semaphore, #tpu.memory_space<semaphore_mem>>) src(%arg9 : memref<128x128xf32, #tpu.memory_space<vmem>>) dst(%dma_wait3A_93 : memref<10240x128xf32, #tpu.memory_space<vmem_shared>>)
        tpu.yield
      }) : () -> ()
    }
    %scan3A_14 = arith.constant 20 : i32
    %barrier3A_15 = arith.constant 0 : index
    tpu.barrier barrier_id(%barrier3A_15)
    %mul3A_16 = arith.constant 640 : i32
    %mul3A_17 = arith.muli %arg1, %mul3A_16 : i32
    %mul3A_18 = arith.constant 640 : i32
    %mul3A_19 = arith.muli %arg1, %mul3A_18 : i32
    "tpu.region"() ({
      %run_scoped3A = tpu.sem_alloc : memref<!tpu.dma_semaphore, #tpu.memory_space<semaphore_mem>>
      %dma_start3A = arith.constant 0 : i32
      %dma_start3A_42 = tpu.memref_slice %arg5[%add3A_5, %mul3A_19, %dma_start3A] : memref<4x10240x128xf32, #tpu.memory_space<hbm>> -> memref<1x640x128xf32, #tpu.memory_space<hbm>>
      %dma_start3A_43 = tpu.memref_squeeze %dma_start3A_42 : memref<1x640x128xf32, #tpu.memory_space<hbm>> -> memref<640x128xf32, #tpu.memory_space<hbm>>
      %dma_start3A_44 = arith.constant 0 : i32
      %dma_start3A_45 = tpu.memref_slice %arg6[%mul3A_17, %dma_start3A_44] : memref<10240x128xf32, #tpu.memory_space<vmem_shared>> -> memref<640x128xf32, #tpu.memory_space<vmem_shared>>
      tpu.enqueue_dma source(%dma_start3A_45 : memref<640x128xf32, #tpu.memory_space<vmem_shared>>) target(%dma_start3A_43 : memref<640x128xf32, #tpu.memory_space<hbm>>) target_semaphore(%run_scoped3A : memref<!tpu.dma_semaphore, #tpu.memory_space<semaphore_mem>>)
      %dma_wait3A = arith.constant 0 : i32
      %dma_wait3A_46 = tpu.memref_slice %arg5[%add3A_5, %mul3A_19, %dma_wait3A] : memref<4x10240x128xf32, #tpu.memory_space<hbm>> -> memref<1x640x128xf32, #tpu.memory_space<hbm>>
      %dma_wait3A_47 = tpu.memref_squeeze %dma_wait3A_46 : memref<1x640x128xf32, #tpu.memory_space<hbm>> -> memref<640x128xf32, #tpu.memory_space<hbm>>
      %dma_wait3A_48 = arith.constant 0 : i32
      %dma_wait3A_49 = tpu.memref_slice %arg6[%mul3A_17, %dma_wait3A_48] : memref<10240x128xf32, #tpu.memory_space<vmem_shared>> -> memref<640x128xf32, #tpu.memory_space<vmem_shared>>
      tpu.wait_dma2 semaphore(%run_scoped3A : memref<!tpu.dma_semaphore, #tpu.memory_space<semaphore_mem>>) src(%dma_wait3A_49 : memref<640x128xf32, #tpu.memory_space<vmem_shared>>) dst(%dma_wait3A_47 : memref<640x128xf32, #tpu.memory_space<hbm>>)
      tpu.yield
    }) : () -> ()
    %barrier3A_20 = arith.constant 0 : index
    tpu.barrier barrier_id(%barrier3A_20)
    %mul3A_21 = arith.constant 2 : i32
    %mul3A_22 = arith.muli %arg0, %mul3A_21 : i32
    %add3A_23 = arith.constant 1 : i32
    %add3A_24 = arith.addi %mul3A_22, %add3A_23 : i32
    %mul3A_25 = arith.constant 640 : i32
    %mul3A_26 = arith.muli %arg1, %mul3A_25 : i32
    %mul3A_27 = arith.constant 640 : i32
    %mul3A_28 = arith.muli %arg1, %mul3A_27 : i32
    "tpu.region"() ({
      %run_scoped3A = tpu.sem_alloc : memref<!tpu.dma_semaphore, #tpu.memory_space<semaphore_mem>>
      %dma_start3A = arith.constant 0 : i32
      %dma_start3A_42 = tpu.memref_slice %arg6[%mul3A_28, %dma_start3A] : memref<10240x128xf32, #tpu.memory_space<vmem_shared>> -> memref<640x128xf32, #tpu.memory_space<vmem_shared>>
      %dma_start3A_43 = arith.constant 0 : i32
      %dma_start3A_44 = tpu.memref_slice %arg4[%add3A_24, %mul3A_26, %dma_start3A_43] : memref<4x10240x128xf32, #tpu.memory_space<hbm>> -> memref<1x640x128xf32, #tpu.memory_space<hbm>>
      %dma_start3A_45 = tpu.memref_squeeze %dma_start3A_44 : memref<1x640x128xf32, #tpu.memory_space<hbm>> -> memref<640x128xf32, #tpu.memory_space<hbm>>
      tpu.enqueue_dma source(%dma_start3A_45 : memref<640x128xf32, #tpu.memory_space<hbm>>) target(%dma_start3A_42 : memref<640x128xf32, #tpu.memory_space<vmem_shared>>) target_semaphore(%run_scoped3A : memref<!tpu.dma_semaphore, #tpu.memory_space<semaphore_mem>>)
      %dma_wait3A = arith.constant 0 : i32
      %dma_wait3A_46 = tpu.memref_slice %arg6[%mul3A_28, %dma_wait3A] : memref<10240x128xf32, #tpu.memory_space<vmem_shared>> -> memref<640x128xf32, #tpu.memory_space<vmem_shared>>
      %dma_wait3A_47 = arith.constant 0 : i32
      %dma_wait3A_48 = tpu.memref_slice %arg4[%add3A_24, %mul3A_26, %dma_wait3A_47] : memref<4x10240x128xf32, #tpu.memory_space<hbm>> -> memref<1x640x128xf32, #tpu.memory_space<hbm>>
      %dma_wait3A_49 = tpu.memref_squeeze %dma_wait3A_48 : memref<1x640x128xf32, #tpu.memory_space<hbm>> -> memref<640x128xf32, #tpu.memory_space<hbm>>
      tpu.wait_dma2 semaphore(%run_scoped3A : memref<!tpu.dma_semaphore, #tpu.memory_space<semaphore_mem>>) src(%dma_wait3A_49 : memref<640x128xf32, #tpu.memory_space<hbm>>) dst(%dma_wait3A_46 : memref<640x128xf32, #tpu.memory_space<vmem_shared>>)
      tpu.yield
    }) : () -> ()
    %barrier3A_29 = arith.constant 0 : index
    tpu.barrier barrier_id(%barrier3A_29)
    %scan3A_30 = arith.constant 0 : i32
    %scan3A_31 = arith.constant 0 : i32
    %scan3A_32 = arith.constant 20 : i32
    %scan3A_33 = arith.addi %scan3A_31, %scan3A_32 : i32
    %scan3A_34 = arith.constant 1 : i32
    scf.for %scan3A_42 = %scan3A_31 to %scan3A_33 step %scan3A_34  : i32 {
      %mul3A_43 = arith.constant 2 : i32
      %mul3A_44 = arith.muli %scan3A_42, %mul3A_43 : i32
      %mul3A_45 = arith.constant 40 : i32
      %mul3A_46 = arith.muli %arg1, %mul3A_45 : i32
      %add3A_47 = arith.addi %mul3A_46, %mul3A_44 : i32
      %dma_start3A = arith.constant 0 : i32
      %dma_start3A_48 = arith.constant 0 : i32
      %dma_start3A_49 = tpu.memref_slice %arg2[%add3A_24, %add3A_47, %dma_start3A, %dma_start3A_48] : memref<4x640x128x128xf32, #tpu.memory_space<hbm>> -> memref<1x1x128x128xf32, #tpu.memory_space<hbm>>
      %dma_start3A_50 = tpu.memref_squeeze %dma_start3A_49 : memref<1x1x128x128xf32, #tpu.memory_space<hbm>> -> memref<128x128xf32, #tpu.memory_space<hbm>>
      %dma_start3A_51 = arith.constant 0 : i32
      %dma_start3A_52 = arith.constant 0 : i32
      %dma_start3A_53 = tpu.memref_slice %arg2[%add3A_24, %add3A_47, %dma_start3A_51, %dma_start3A_52] : memref<4x640x128x128xf32, #tpu.memory_space<hbm>> -> memref<1x1x128x128xf32, #tpu.memory_space<hbm>>
      %dma_start3A_54 = tpu.memref_squeeze %dma_start3A_53 : memref<1x1x128x128xf32, #tpu.memory_space<hbm>> -> memref<128x128xf32, #tpu.memory_space<hbm>>
      tpu.enqueue_dma source(%dma_start3A_54 : memref<128x128xf32, #tpu.memory_space<hbm>>) target(%arg8 : memref<128x128xf32, #tpu.memory_space<vmem>>) target_semaphore(%arg10 : memref<!tpu.dma_semaphore, #tpu.memory_space<semaphore_mem>>)
      %add3A_55 = arith.constant 1 : i32
      %add3A_56 = arith.addi %add3A_47, %add3A_55 : i32
      %dma_start3A_57 = arith.constant 0 : i32
      %dma_start3A_58 = arith.constant 0 : i32
      %dma_start3A_59 = tpu.memref_slice %arg2[%add3A_24, %add3A_56, %dma_start3A_57, %dma_start3A_58] : memref<4x640x128x128xf32, #tpu.memory_space<hbm>> -> memref<1x1x128x128xf32, #tpu.memory_space<hbm>>
      %dma_start3A_60 = tpu.memref_squeeze %dma_start3A_59 : memref<1x1x128x128xf32, #tpu.memory_space<hbm>> -> memref<128x128xf32, #tpu.memory_space<hbm>>
      %dma_start3A_61 = arith.constant 0 : i32
      %dma_start3A_62 = arith.constant 0 : i32
      %dma_start3A_63 = tpu.memref_slice %arg2[%add3A_24, %add3A_56, %dma_start3A_61, %dma_start3A_62] : memref<4x640x128x128xf32, #tpu.memory_space<hbm>> -> memref<1x1x128x128xf32, #tpu.memory_space<hbm>>
      %dma_start3A_64 = tpu.memref_squeeze %dma_start3A_63 : memref<1x1x128x128xf32, #tpu.memory_space<hbm>> -> memref<128x128xf32, #tpu.memory_space<hbm>>
      tpu.enqueue_dma source(%dma_start3A_64 : memref<128x128xf32, #tpu.memory_space<hbm>>) target(%arg9 : memref<128x128xf32, #tpu.memory_space<vmem>>) target_semaphore(%arg11 : memref<!tpu.dma_semaphore, #tpu.memory_space<semaphore_mem>>)
      %dma_wait3A = arith.constant 0 : i32
      %dma_wait3A_65 = arith.constant 0 : i32
      %dma_wait3A_66 = tpu.memref_slice %arg2[%add3A_24, %add3A_47, %dma_wait3A, %dma_wait3A_65] : memref<4x640x128x128xf32, #tpu.memory_space<hbm>> -> memref<1x1x128x128xf32, #tpu.memory_space<hbm>>
      %dma_wait3A_67 = tpu.memref_squeeze %dma_wait3A_66 : memref<1x1x128x128xf32, #tpu.memory_space<hbm>> -> memref<128x128xf32, #tpu.memory_space<hbm>>
      %dma_wait3A_68 = arith.constant 0 : i32
      %dma_wait3A_69 = arith.constant 0 : i32
      %dma_wait3A_70 = tpu.memref_slice %arg2[%add3A_24, %add3A_47, %dma_wait3A_68, %dma_wait3A_69] : memref<4x640x128x128xf32, #tpu.memory_space<hbm>> -> memref<1x1x128x128xf32, #tpu.memory_space<hbm>>
      %dma_wait3A_71 = tpu.memref_squeeze %dma_wait3A_70 : memref<1x1x128x128xf32, #tpu.memory_space<hbm>> -> memref<128x128xf32, #tpu.memory_space<hbm>>
      tpu.wait_dma2 semaphore(%arg10 : memref<!tpu.dma_semaphore, #tpu.memory_space<semaphore_mem>>) src(%dma_wait3A_71 : memref<128x128xf32, #tpu.memory_space<hbm>>) dst(%arg8 : memref<128x128xf32, #tpu.memory_space<vmem>>)
      "tpu.region"() ({
        %run_scoped3A = tpu.sem_alloc : memref<!tpu.dma_semaphore, #tpu.memory_space<semaphore_mem>>
        %dma_start3A_82 = arith.constant 0 : i32
        %dma_start3A_83 = tpu.memref_slice %arg7[%mul3A_44, %dma_start3A_82] : memref<40x128xi32, #tpu.memory_space<vmem>> -> memref<1x128xi32, #tpu.memory_space<vmem>>
        %dma_start3A_84 = tpu.memref_squeeze %dma_start3A_83 : memref<1x128xi32, #tpu.memory_space<vmem>> -> memref<128xi32, #tpu.memory_space<vmem>>
        %dma_start3A_85 = arith.constant 0 : i32
        %dma_start3A_86 = arith.constant 0 : i32
        %dma_start3A_87 = tpu.memref_slice %arg6[%dma_start3A_85, %dma_start3A_86] : memref<10240x128xf32, #tpu.memory_space<vmem_shared>> -> memref<10240x128xf32, #tpu.memory_space<vmem_shared>>
        tpu.enqueue_indirect_dma source(%arg8 : memref<128x128xf32, #tpu.memory_space<vmem>>) target(%dma_start3A_87 : memref<10240x128xf32, #tpu.memory_space<vmem_shared>>) offsets(%dma_start3A_84 : memref<128xi32, #tpu.memory_space<vmem>>) semaphore(%run_scoped3A : memref<!tpu.dma_semaphore, #tpu.memory_space<semaphore_mem>>) {add = true}
        %dma_wait3A_88 = arith.constant 0 : i32
        %dma_wait3A_89 = tpu.memref_slice %arg7[%mul3A_44, %dma_wait3A_88] : memref<40x128xi32, #tpu.memory_space<vmem>> -> memref<1x128xi32, #tpu.memory_space<vmem>>
        %dma_wait3A_90 = tpu.memref_squeeze %dma_wait3A_89 : memref<1x128xi32, #tpu.memory_space<vmem>> -> memref<128xi32, #tpu.memory_space<vmem>>
        %dma_wait3A_91 = arith.constant 0 : i32
        %dma_wait3A_92 = arith.constant 0 : i32
        %dma_wait3A_93 = tpu.memref_slice %arg6[%dma_wait3A_91, %dma_wait3A_92] : memref<10240x128xf32, #tpu.memory_space<vmem_shared>> -> memref<10240x128xf32, #tpu.memory_space<vmem_shared>>
        tpu.wait_indirect_dma semaphore(%run_scoped3A : memref<!tpu.dma_semaphore, #tpu.memory_space<semaphore_mem>>) src(%arg8 : memref<128x128xf32, #tpu.memory_space<vmem>>) dst(%dma_wait3A_93 : memref<10240x128xf32, #tpu.memory_space<vmem_shared>>)
        tpu.yield
      }) : () -> ()
      %dma_wait3A_72 = arith.constant 0 : i32
      %dma_wait3A_73 = arith.constant 0 : i32
      %dma_wait3A_74 = tpu.memref_slice %arg2[%add3A_24, %add3A_56, %dma_wait3A_72, %dma_wait3A_73] : memref<4x640x128x128xf32, #tpu.memory_space<hbm>> -> memref<1x1x128x128xf32, #tpu.memory_space<hbm>>
      %dma_wait3A_75 = tpu.memref_squeeze %dma_wait3A_74 : memref<1x1x128x128xf32, #tpu.memory_space<hbm>> -> memref<128x128xf32, #tpu.memory_space<hbm>>
      %dma_wait3A_76 = arith.constant 0 : i32
      %dma_wait3A_77 = arith.constant 0 : i32
      %dma_wait3A_78 = tpu.memref_slice %arg2[%add3A_24, %add3A_56, %dma_wait3A_76, %dma_wait3A_77] : memref<4x640x128x128xf32, #tpu.memory_space<hbm>> -> memref<1x1x128x128xf32, #tpu.memory_space<hbm>>
      %dma_wait3A_79 = tpu.memref_squeeze %dma_wait3A_78 : memref<1x1x128x128xf32, #tpu.memory_space<hbm>> -> memref<128x128xf32, #tpu.memory_space<hbm>>
      tpu.wait_dma2 semaphore(%arg11 : memref<!tpu.dma_semaphore, #tpu.memory_space<semaphore_mem>>) src(%dma_wait3A_79 : memref<128x128xf32, #tpu.memory_space<hbm>>) dst(%arg9 : memref<128x128xf32, #tpu.memory_space<vmem>>)
      %add3A_80 = arith.constant 1 : i32
      %add3A_81 = arith.addi %mul3A_44, %add3A_80 : i32
      "tpu.region"() ({
        %run_scoped3A = tpu.sem_alloc : memref<!tpu.dma_semaphore, #tpu.memory_space<semaphore_mem>>
        %dma_start3A_82 = arith.constant 0 : i32
        %dma_start3A_83 = tpu.memref_slice %arg7[%add3A_81, %dma_start3A_82] : memref<40x128xi32, #tpu.memory_space<vmem>> -> memref<1x128xi32, #tpu.memory_space<vmem>>
        %dma_start3A_84 = tpu.memref_squeeze %dma_start3A_83 : memref<1x128xi32, #tpu.memory_space<vmem>> -> memref<128xi32, #tpu.memory_space<vmem>>
        %dma_start3A_85 = arith.constant 0 : i32
        %dma_start3A_86 = arith.constant 0 : i32
        %dma_start3A_87 = tpu.memref_slice %arg6[%dma_start3A_85, %dma_start3A_86] : memref<10240x128xf32, #tpu.memory_space<vmem_shared>> -> memref<10240x128xf32, #tpu.memory_space<vmem_shared>>
        tpu.enqueue_indirect_dma source(%arg9 : memref<128x128xf32, #tpu.memory_space<vmem>>) target(%dma_start3A_87 : memref<10240x128xf32, #tpu.memory_space<vmem_shared>>) offsets(%dma_start3A_84 : memref<128xi32, #tpu.memory_space<vmem>>) semaphore(%run_scoped3A : memref<!tpu.dma_semaphore, #tpu.memory_space<semaphore_mem>>) {add = true}
        %dma_wait3A_88 = arith.constant 0 : i32
        %dma_wait3A_89 = tpu.memref_slice %arg7[%add3A_81, %dma_wait3A_88] : memref<40x128xi32, #tpu.memory_space<vmem>> -> memref<1x128xi32, #tpu.memory_space<vmem>>
        %dma_wait3A_90 = tpu.memref_squeeze %dma_wait3A_89 : memref<1x128xi32, #tpu.memory_space<vmem>> -> memref<128xi32, #tpu.memory_space<vmem>>
        %dma_wait3A_91 = arith.constant 0 : i32
        %dma_wait3A_92 = arith.constant 0 : i32
        %dma_wait3A_93 = tpu.memref_slice %arg6[%dma_wait3A_91, %dma_wait3A_92] : memref<10240x128xf32, #tpu.memory_space<vmem_shared>> -> memref<10240x128xf32, #tpu.memory_space<vmem_shared>>
        tpu.wait_indirect_dma semaphore(%run_scoped3A : memref<!tpu.dma_semaphore, #tpu.memory_space<semaphore_mem>>) src(%arg9 : memref<128x128xf32, #tpu.memory_space<vmem>>) dst(%dma_wait3A_93 : memref<10240x128xf32, #tpu.memory_space<vmem_shared>>)
        tpu.yield
      }) : () -> ()
    }
    %scan3A_35 = arith.constant 20 : i32
    %barrier3A_36 = arith.constant 0 : index
    tpu.barrier barrier_id(%barrier3A_36)
    %mul3A_37 = arith.constant 640 : i32
    %mul3A_38 = arith.muli %arg1, %mul3A_37 : i32
    %mul3A_39 = arith.constant 640 : i32
    %mul3A_40 = arith.muli %arg1, %mul3A_39 : i32
    "tpu.region"() ({
      %run_scoped3A = tpu.sem_alloc : memref<!tpu.dma_semaphore, #tpu.memory_space<semaphore_mem>>
      %dma_start3A = arith.constant 0 : i32
      %dma_start3A_42 = tpu.memref_slice %arg5[%add3A_24, %mul3A_40, %dma_start3A] : memref<4x10240x128xf32, #tpu.memory_space<hbm>> -> memref<1x640x128xf32, #tpu.memory_space<hbm>>
      %dma_start3A_43 = tpu.memref_squeeze %dma_start3A_42 : memref<1x640x128xf32, #tpu.memory_space<hbm>> -> memref<640x128xf32, #tpu.memory_space<hbm>>
      %dma_start3A_44 = arith.constant 0 : i32
      %dma_start3A_45 = tpu.memref_slice %arg6[%mul3A_38, %dma_start3A_44] : memref<10240x128xf32, #tpu.memory_space<vmem_shared>> -> memref<640x128xf32, #tpu.memory_space<vmem_shared>>
      tpu.enqueue_dma source(%dma_start3A_45 : memref<640x128xf32, #tpu.memory_space<vmem_shared>>) target(%dma_start3A_43 : memref<640x128xf32, #tpu.memory_space<hbm>>) target_semaphore(%run_scoped3A : memref<!tpu.dma_semaphore, #tpu.memory_space<semaphore_mem>>)
      %dma_wait3A = arith.constant 0 : i32
      %dma_wait3A_46 = tpu.memref_slice %arg5[%add3A_24, %mul3A_40, %dma_wait3A] : memref<4x10240x128xf32, #tpu.memory_space<hbm>> -> memref<1x640x128xf32, #tpu.memory_space<hbm>>
      %dma_wait3A_47 = tpu.memref_squeeze %dma_wait3A_46 : memref<1x640x128xf32, #tpu.memory_space<hbm>> -> memref<640x128xf32, #tpu.memory_space<hbm>>
      %dma_wait3A_48 = arith.constant 0 : i32
      %dma_wait3A_49 = tpu.memref_slice %arg6[%mul3A_38, %dma_wait3A_48] : memref<10240x128xf32, #tpu.memory_space<vmem_shared>> -> memref<640x128xf32, #tpu.memory_space<vmem_shared>>
      tpu.wait_dma2 semaphore(%run_scoped3A : memref<!tpu.dma_semaphore, #tpu.memory_space<semaphore_mem>>) src(%dma_wait3A_49 : memref<640x128xf32, #tpu.memory_space<vmem_shared>>) dst(%dma_wait3A_47 : memref<640x128xf32, #tpu.memory_space<hbm>>)
      tpu.yield
    }) : () -> ()
    %barrier3A_41 = arith.constant 0 : index
    tpu.barrier barrier_id(%barrier3A_41)
    return
  }
}

module attributes {stable_mosaic.version = 14 : i64} {
  func.func @_tc_body(%arg0: i32, %arg1: memref<10x128x128xf32, #tpu.memory_space<vmem>>, %arg2: memref<1280x19xf32, #tpu.memory_space<vmem>>, %arg3: memref<16x64xf32, #tpu.memory_space<vmem>>, %arg4: memref<64x64xf32, #tpu.memory_space<vmem>>, %arg5: memref<64x64xf32, #tpu.memory_space<vmem>>, %arg6: memref<64x256xf32, #tpu.memory_space<vmem>>, %arg7: memref<4x10x128x128xf32, #tpu.memory_space<vmem>>) attributes {dimension_semantics = [#tpu.dimension_semantics<arbitrary>], iteration_bounds = array<i64: 64>, scalar_prefetch = 0 : i64, scratch_operands = 0 : i64, tpu.core_type = #tpu.core_type<tc>, window_params = [{transform_indices = @transform_0, window_bounds = array<i64: 10, 128, 128>}, {transform_indices = @transform_1, window_bounds = array<i64: 1280, 19>}, {pipeline_mode = #tpu.pipeline_mode<synchronous>, transform_indices = @transform_2, window_bounds = array<i64: 16, 64>}, {pipeline_mode = #tpu.pipeline_mode<synchronous>, transform_indices = @transform_3, window_bounds = array<i64: 64, 64>}, {pipeline_mode = #tpu.pipeline_mode<synchronous>, transform_indices = @transform_4, window_bounds = array<i64: 64, 64>}, {pipeline_mode = #tpu.pipeline_mode<synchronous>, transform_indices = @transform_5, window_bounds = array<i64: 64, 256>}, {transform_indices = @transform_6, window_bounds = array<i64: 4, 10, 128, 128>}]} {
    %get3A = arith.constant 0 : index
    %get3A_0 = arith.constant 0 : index
    %get3A_1 = arith.constant 0 : index
    %get3A_2 = vector.load %arg1[%get3A, %get3A_0, %get3A_1] : memref<10x128x128xf32, #tpu.memory_space<vmem>>, vector<10x128x128xf32>
    %reshape3A = vector.shape_cast %get3A_2 : vector<10x128x128xf32> to vector<1280x128xf32>
    %get3A_3 = arith.constant 0 : index
    %get3A_4 = arith.constant 0 : index
    %get3A_5 = vector.load %arg2[%get3A_3, %get3A_4] : memref<1280x19xf32, #tpu.memory_space<vmem>>, vector<1280x19xf32>
    %slice3A = vector.extract_strided_slice %get3A_5 {offsets = [0, 0], sizes = [1280, 16], strides = [1, 1]} : vector<1280x19xf32> to vector<1280x16xf32>
    %get3A_6 = arith.constant 0 : index
    %get3A_7 = arith.constant 0 : index
    %get3A_8 = vector.load %arg3[%get3A_6, %get3A_7] : memref<16x64xf32, #tpu.memory_space<vmem>>, vector<16x64xf32>
    %dot_general3A = arith.constant dense<0.000000e+00> : vector<1280x64xf32>
    %dot_general3A_9 = tpu.matmul %slice3A, %get3A_8, %dot_general3A {dimension_numbers = #tpu.dot_dimension_numbers<[1], [0], [0], [1], [0, 0, 1, 1], [], []>, transpose_lhs_hint = false} : vector<1280x16xf32>, vector<16x64xf32>, vector<1280x64xf32> -> vector<1280x64xf32>
    %mul3A = arith.constant 2.500000e-01 : f32
    %mul3A_10 = vector.broadcast %mul3A : f32 to vector<1280x64xf32>
    %mul3A_11 = arith.mulf %dot_general3A_9, %mul3A_10 : vector<1280x64xf32>
    %logistic3A = arith.negf %mul3A_11 : vector<1280x64xf32>
    %logistic3A_12 = math.exp %logistic3A : vector<1280x64xf32>
    %logistic3A_13 = arith.constant 1.000000e+00 : f32
    %logistic3A_14 = vector.broadcast %logistic3A_13 : f32 to vector<1280x64xf32>
    %logistic3A_15 = arith.addf %logistic3A_14, %logistic3A_12 : vector<1280x64xf32>
    %logistic3A_16 = arith.divf %logistic3A_14, %logistic3A_15 : vector<1280x64xf32>
    %mul3A_17 = arith.mulf %mul3A_11, %logistic3A_16 : vector<1280x64xf32>
    %mul3A_18 = arith.constant 1.67532051 : f32
    %mul3A_19 = vector.broadcast %mul3A_18 : f32 to vector<1280x64xf32>
    %mul3A_20 = arith.mulf %mul3A_17, %mul3A_19 : vector<1280x64xf32>
    %get3A_21 = arith.constant 0 : index
    %get3A_22 = arith.constant 0 : index
    %get3A_23 = vector.load %arg4[%get3A_21, %get3A_22] : memref<64x64xf32, #tpu.memory_space<vmem>>, vector<64x64xf32>
    %dot_general3A_24 = arith.constant dense<0.000000e+00> : vector<1280x64xf32>
    %dot_general3A_25 = tpu.matmul %mul3A_20, %get3A_23, %dot_general3A_24 {dimension_numbers = #tpu.dot_dimension_numbers<[1], [0], [0], [1], [0, 0, 1, 1], [], []>, transpose_lhs_hint = false} : vector<1280x64xf32>, vector<64x64xf32>, vector<1280x64xf32> -> vector<1280x64xf32>
    %mul3A_26 = arith.constant 1.250000e-01 : f32
    %mul3A_27 = vector.broadcast %mul3A_26 : f32 to vector<1280x64xf32>
    %mul3A_28 = arith.mulf %dot_general3A_25, %mul3A_27 : vector<1280x64xf32>
    %logistic3A_29 = arith.negf %mul3A_28 : vector<1280x64xf32>
    %logistic3A_30 = math.exp %logistic3A_29 : vector<1280x64xf32>
    %logistic3A_31 = arith.constant 1.000000e+00 : f32
    %logistic3A_32 = vector.broadcast %logistic3A_31 : f32 to vector<1280x64xf32>
    %logistic3A_33 = arith.addf %logistic3A_32, %logistic3A_30 : vector<1280x64xf32>
    %logistic3A_34 = arith.divf %logistic3A_32, %logistic3A_33 : vector<1280x64xf32>
    %mul3A_35 = arith.mulf %mul3A_28, %logistic3A_34 : vector<1280x64xf32>
    %mul3A_36 = arith.constant 1.67532051 : f32
    %mul3A_37 = vector.broadcast %mul3A_36 : f32 to vector<1280x64xf32>
    %mul3A_38 = arith.mulf %mul3A_35, %mul3A_37 : vector<1280x64xf32>
    %get3A_39 = arith.constant 0 : index
    %get3A_40 = arith.constant 0 : index
    %get3A_41 = vector.load %arg5[%get3A_39, %get3A_40] : memref<64x64xf32, #tpu.memory_space<vmem>>, vector<64x64xf32>
    %dot_general3A_42 = arith.constant dense<0.000000e+00> : vector<1280x64xf32>
    %dot_general3A_43 = tpu.matmul %mul3A_38, %get3A_41, %dot_general3A_42 {dimension_numbers = #tpu.dot_dimension_numbers<[1], [0], [0], [1], [0, 0, 1, 1], [], []>, transpose_lhs_hint = false} : vector<1280x64xf32>, vector<64x64xf32>, vector<1280x64xf32> -> vector<1280x64xf32>
    %mul3A_44 = arith.constant 1.250000e-01 : f32
    %mul3A_45 = vector.broadcast %mul3A_44 : f32 to vector<1280x64xf32>
    %mul3A_46 = arith.mulf %dot_general3A_43, %mul3A_45 : vector<1280x64xf32>
    %logistic3A_47 = arith.negf %mul3A_46 : vector<1280x64xf32>
    %logistic3A_48 = math.exp %logistic3A_47 : vector<1280x64xf32>
    %logistic3A_49 = arith.constant 1.000000e+00 : f32
    %logistic3A_50 = vector.broadcast %logistic3A_49 : f32 to vector<1280x64xf32>
    %logistic3A_51 = arith.addf %logistic3A_50, %logistic3A_48 : vector<1280x64xf32>
    %logistic3A_52 = arith.divf %logistic3A_50, %logistic3A_51 : vector<1280x64xf32>
    %mul3A_53 = arith.mulf %mul3A_46, %logistic3A_52 : vector<1280x64xf32>
    %mul3A_54 = arith.constant 1.67532051 : f32
    %mul3A_55 = vector.broadcast %mul3A_54 : f32 to vector<1280x64xf32>
    %mul3A_56 = arith.mulf %mul3A_53, %mul3A_55 : vector<1280x64xf32>
    %get3A_57 = arith.constant 0 : index
    %get3A_58 = arith.constant 0 : index
    %get3A_59 = vector.load %arg6[%get3A_57, %get3A_58] : memref<64x256xf32, #tpu.memory_space<vmem>>, vector<64x256xf32>
    %dot_general3A_60 = arith.constant dense<0.000000e+00> : vector<1280x256xf32>
    %dot_general3A_61 = tpu.matmul %mul3A_56, %get3A_59, %dot_general3A_60 {dimension_numbers = #tpu.dot_dimension_numbers<[1], [0], [0], [1], [0, 0, 1, 1], [], []>, transpose_lhs_hint = false} : vector<1280x64xf32>, vector<64x256xf32>, vector<1280x256xf32> -> vector<1280x256xf32>
    %mul3A_62 = arith.constant 3.125000e-02 : f32
    %mul3A_63 = vector.broadcast %mul3A_62 : f32 to vector<1280x256xf32>
    %mul3A_64 = arith.mulf %dot_general3A_61, %mul3A_63 : vector<1280x256xf32>
    %slice3A_65 = vector.extract_strided_slice %mul3A_64 {offsets = [0, 0], sizes = [1280, 128], strides = [1, 1]} : vector<1280x256xf32> to vector<1280x128xf32>
    %slice3A_66 = vector.extract_strided_slice %mul3A_64 {offsets = [0, 128], sizes = [1280, 128], strides = [1, 1]} : vector<1280x256xf32> to vector<1280x128xf32>
    %mul3A_67 = arith.mulf %reshape3A, %slice3A_66 : vector<1280x128xf32>
    %mul3A_68 = arith.mulf %reshape3A, %slice3A_65 : vector<1280x128xf32>
    %slice3A_69 = vector.extract_strided_slice %get3A_5 {offsets = [0, 16], sizes = [1280, 1], strides = [1, 1]} : vector<1280x19xf32> to vector<1280x1xf32>
    %mul3A_70 = vector.broadcast %slice3A_69 : vector<1280x1xf32> to vector<1280x128xf32>
    %mul3A_71 = arith.mulf %mul3A_67, %mul3A_70 : vector<1280x128xf32>
    %slice3A_72 = vector.extract_strided_slice %get3A_5 {offsets = [0, 17], sizes = [1280, 1], strides = [1, 1]} : vector<1280x19xf32> to vector<1280x1xf32>
    %mul3A_73 = vector.broadcast %slice3A_72 : vector<1280x1xf32> to vector<1280x128xf32>
    %mul3A_74 = arith.mulf %mul3A_67, %mul3A_73 : vector<1280x128xf32>
    %slice3A_75 = vector.extract_strided_slice %get3A_5 {offsets = [0, 18], sizes = [1280, 1], strides = [1, 1]} : vector<1280x19xf32> to vector<1280x1xf32>
    %mul3A_76 = vector.broadcast %slice3A_75 : vector<1280x1xf32> to vector<1280x128xf32>
    %mul3A_77 = arith.mulf %mul3A_67, %mul3A_76 : vector<1280x128xf32>
    %stack3A = vector.shape_cast %mul3A_68 : vector<1280x128xf32> to vector<1x1280x128xf32>
    %stack3A_78 = vector.shape_cast %mul3A_71 : vector<1280x128xf32> to vector<1x1280x128xf32>
    %stack3A_79 = vector.shape_cast %mul3A_74 : vector<1280x128xf32> to vector<1x1280x128xf32>
    %stack3A_80 = vector.shape_cast %mul3A_77 : vector<1280x128xf32> to vector<1x1280x128xf32>
    %stack3A_81 = tpu.concatenate %stack3A, %stack3A_78, %stack3A_79, %stack3A_80 in 0 : vector<1x1280x128xf32>, vector<1x1280x128xf32>, vector<1x1280x128xf32>, vector<1x1280x128xf32> -> vector<4x1280x128xf32>
    %reshape3A_82 = vector.shape_cast %stack3A_81 : vector<4x1280x128xf32> to vector<4x10x128x128xf32>
    %swap3A = arith.constant 0 : index
    %swap3A_83 = arith.constant 0 : index
    %swap3A_84 = arith.constant 0 : index
    %swap3A_85 = arith.constant 0 : index
    %swap3A_86 = vector.load %arg7[%swap3A, %swap3A_83, %swap3A_84, %swap3A_85] : memref<4x10x128x128xf32, #tpu.memory_space<vmem>>, vector<4x10x128x128xf32>
    tpu.vector_store %arg7[%swap3A, %swap3A_83, %swap3A_84, %swap3A_85], %reshape3A_82 {strides = array<i32>} : memref<4x10x128x128xf32, #tpu.memory_space<vmem>>, vector<4x10x128x128xf32>,
    return
  }
  func.func @transform_0(%arg0: i32) -> (i32, i32, i32) {
    %add3A = arith.constant 0 : i32
    %add3A_0 = arith.addi %arg0, %add3A : i32
    %c0_i32 = arith.constant 0 : i32
    %c0_i32_1 = arith.constant 0 : i32
    %c0_i32_2 = arith.constant 0 : i32
    return %add3A_0, %c0_i32, %c0_i32_1 : i32, i32, i32
  }
  func.func @transform_1(%arg0: i32) -> (i32, i32) {
    %add3A = arith.constant 0 : i32
    %add3A_0 = arith.addi %arg0, %add3A : i32
    %c0_i32 = arith.constant 0 : i32
    %c0_i32_1 = arith.constant 0 : i32
    return %add3A_0, %c0_i32 : i32, i32
  }
  func.func @transform_2(%arg0: i32) -> (i32, i32) {
    %c0_i32 = arith.constant 0 : i32
    %c0_i32_0 = arith.constant 0 : i32
    %c0_i32_1 = arith.constant 0 : i32
    return %c0_i32, %c0_i32_0 : i32, i32
  }
  func.func @transform_3(%arg0: i32) -> (i32, i32) {
    %c0_i32 = arith.constant 0 : i32
    %c0_i32_0 = arith.constant 0 : i32
    %c0_i32_1 = arith.constant 0 : i32
    return %c0_i32, %c0_i32_0 : i32, i32
  }
  func.func @transform_4(%arg0: i32) -> (i32, i32) {
    %c0_i32 = arith.constant 0 : i32
    %c0_i32_0 = arith.constant 0 : i32
    %c0_i32_1 = arith.constant 0 : i32
    return %c0_i32, %c0_i32_0 : i32, i32
  }
  func.func @transform_5(%arg0: i32) -> (i32, i32) {
    %c0_i32 = arith.constant 0 : i32
    %c0_i32_0 = arith.constant 0 : i32
    %c0_i32_1 = arith.constant 0 : i32
    return %c0_i32, %c0_i32_0 : i32, i32
  }
  func.func @transform_6(%arg0: i32) -> (i32, i32, i32, i32) {
    %c0_i32 = arith.constant 0 : i32
    %c0_i32_0 = arith.constant 0 : i32
    %c0_i32_1 = arith.constant 0 : i32
    %c0_i32_2 = arith.constant 0 : i32
    return %c0_i32, %arg0, %c0_i32_0, %c0_i32_1 : i32, i32, i32, i32
  }
}

module attributes {stable_mosaic.version = 14 : i64} {
  func.func @_tc_body(%arg0: i32, %arg1: memref<10x128x128xf32, #tpu.memory_space<vmem>>, %arg2: memref<1280x19xf32, #tpu.memory_space<vmem>>, %arg3: memref<16x64xf32, #tpu.memory_space<vmem>>, %arg4: memref<64x64xf32, #tpu.memory_space<vmem>>, %arg5: memref<64x64xf32, #tpu.memory_space<vmem>>, %arg6: memref<64x256xf32, #tpu.memory_space<vmem>>, %arg7: memref<4x10x128x128xf32, #tpu.memory_space<vmem>>) attributes {dimension_semantics = [#tpu.dimension_semantics<arbitrary>], iteration_bounds = array<i64: 61>, scalar_prefetch = 0 : i64, scratch_operands = 0 : i64, tpu.core_type = #tpu.core_type<tc>, window_params = [{transform_indices = @transform_0, window_bounds = array<i64: 10, 128, 128>}, {transform_indices = @transform_1, window_bounds = array<i64: 1280, 19>}, {pipeline_mode = #tpu.pipeline_mode<synchronous>, transform_indices = @transform_2, window_bounds = array<i64: 16, 64>}, {pipeline_mode = #tpu.pipeline_mode<synchronous>, transform_indices = @transform_3, window_bounds = array<i64: 64, 64>}, {pipeline_mode = #tpu.pipeline_mode<synchronous>, transform_indices = @transform_4, window_bounds = array<i64: 64, 64>}, {pipeline_mode = #tpu.pipeline_mode<synchronous>, transform_indices = @transform_5, window_bounds = array<i64: 64, 256>}, {transform_indices = @transform_6, window_bounds = array<i64: 4, 10, 128, 128>}]} {
    %get3A = arith.constant 0 : index
    %get3A_0 = arith.constant 0 : index
    %get3A_1 = arith.constant 0 : index
    %get3A_2 = vector.load %arg1[%get3A, %get3A_0, %get3A_1] : memref<10x128x128xf32, #tpu.memory_space<vmem>>, vector<10x128x128xf32>
    %reshape3A = vector.shape_cast %get3A_2 : vector<10x128x128xf32> to vector<1280x128xf32>
    %get3A_3 = arith.constant 0 : index
    %get3A_4 = arith.constant 0 : index
    %get3A_5 = vector.load %arg2[%get3A_3, %get3A_4] : memref<1280x19xf32, #tpu.memory_space<vmem>>, vector<1280x19xf32>
    %slice3A = vector.extract_strided_slice %get3A_5 {offsets = [0, 0], sizes = [1280, 16], strides = [1, 1]} : vector<1280x19xf32> to vector<1280x16xf32>
    %get3A_6 = arith.constant 0 : index
    %get3A_7 = arith.constant 0 : index
    %get3A_8 = vector.load %arg3[%get3A_6, %get3A_7] : memref<16x64xf32, #tpu.memory_space<vmem>>, vector<16x64xf32>
    %dot_general3A = arith.constant dense<0.000000e+00> : vector<1280x64xf32>
    %dot_general3A_9 = tpu.matmul %slice3A, %get3A_8, %dot_general3A {dimension_numbers = #tpu.dot_dimension_numbers<[1], [0], [0], [1], [0, 0, 1, 1], [], []>, transpose_lhs_hint = false} : vector<1280x16xf32>, vector<16x64xf32>, vector<1280x64xf32> -> vector<1280x64xf32>
    %mul3A = arith.constant 2.500000e-01 : f32
    %mul3A_10 = vector.broadcast %mul3A : f32 to vector<1280x64xf32>
    %mul3A_11 = arith.mulf %dot_general3A_9, %mul3A_10 : vector<1280x64xf32>
    %logistic3A = arith.negf %mul3A_11 : vector<1280x64xf32>
    %logistic3A_12 = math.exp %logistic3A : vector<1280x64xf32>
    %logistic3A_13 = arith.constant 1.000000e+00 : f32
    %logistic3A_14 = vector.broadcast %logistic3A_13 : f32 to vector<1280x64xf32>
    %logistic3A_15 = arith.addf %logistic3A_14, %logistic3A_12 : vector<1280x64xf32>
    %logistic3A_16 = arith.divf %logistic3A_14, %logistic3A_15 : vector<1280x64xf32>
    %mul3A_17 = arith.mulf %mul3A_11, %logistic3A_16 : vector<1280x64xf32>
    %mul3A_18 = arith.constant 1.67532051 : f32
    %mul3A_19 = vector.broadcast %mul3A_18 : f32 to vector<1280x64xf32>
    %mul3A_20 = arith.mulf %mul3A_17, %mul3A_19 : vector<1280x64xf32>
    %get3A_21 = arith.constant 0 : index
    %get3A_22 = arith.constant 0 : index
    %get3A_23 = vector.load %arg4[%get3A_21, %get3A_22] : memref<64x64xf32, #tpu.memory_space<vmem>>, vector<64x64xf32>
    %dot_general3A_24 = arith.constant dense<0.000000e+00> : vector<1280x64xf32>
    %dot_general3A_25 = tpu.matmul %mul3A_20, %get3A_23, %dot_general3A_24 {dimension_numbers = #tpu.dot_dimension_numbers<[1], [0], [0], [1], [0, 0, 1, 1], [], []>, transpose_lhs_hint = false} : vector<1280x64xf32>, vector<64x64xf32>, vector<1280x64xf32> -> vector<1280x64xf32>
    %mul3A_26 = arith.constant 1.250000e-01 : f32
    %mul3A_27 = vector.broadcast %mul3A_26 : f32 to vector<1280x64xf32>
    %mul3A_28 = arith.mulf %dot_general3A_25, %mul3A_27 : vector<1280x64xf32>
    %logistic3A_29 = arith.negf %mul3A_28 : vector<1280x64xf32>
    %logistic3A_30 = math.exp %logistic3A_29 : vector<1280x64xf32>
    %logistic3A_31 = arith.constant 1.000000e+00 : f32
    %logistic3A_32 = vector.broadcast %logistic3A_31 : f32 to vector<1280x64xf32>
    %logistic3A_33 = arith.addf %logistic3A_32, %logistic3A_30 : vector<1280x64xf32>
    %logistic3A_34 = arith.divf %logistic3A_32, %logistic3A_33 : vector<1280x64xf32>
    %mul3A_35 = arith.mulf %mul3A_28, %logistic3A_34 : vector<1280x64xf32>
    %mul3A_36 = arith.constant 1.67532051 : f32
    %mul3A_37 = vector.broadcast %mul3A_36 : f32 to vector<1280x64xf32>
    %mul3A_38 = arith.mulf %mul3A_35, %mul3A_37 : vector<1280x64xf32>
    %get3A_39 = arith.constant 0 : index
    %get3A_40 = arith.constant 0 : index
    %get3A_41 = vector.load %arg5[%get3A_39, %get3A_40] : memref<64x64xf32, #tpu.memory_space<vmem>>, vector<64x64xf32>
    %dot_general3A_42 = arith.constant dense<0.000000e+00> : vector<1280x64xf32>
    %dot_general3A_43 = tpu.matmul %mul3A_38, %get3A_41, %dot_general3A_42 {dimension_numbers = #tpu.dot_dimension_numbers<[1], [0], [0], [1], [0, 0, 1, 1], [], []>, transpose_lhs_hint = false} : vector<1280x64xf32>, vector<64x64xf32>, vector<1280x64xf32> -> vector<1280x64xf32>
    %mul3A_44 = arith.constant 1.250000e-01 : f32
    %mul3A_45 = vector.broadcast %mul3A_44 : f32 to vector<1280x64xf32>
    %mul3A_46 = arith.mulf %dot_general3A_43, %mul3A_45 : vector<1280x64xf32>
    %logistic3A_47 = arith.negf %mul3A_46 : vector<1280x64xf32>
    %logistic3A_48 = math.exp %logistic3A_47 : vector<1280x64xf32>
    %logistic3A_49 = arith.constant 1.000000e+00 : f32
    %logistic3A_50 = vector.broadcast %logistic3A_49 : f32 to vector<1280x64xf32>
    %logistic3A_51 = arith.addf %logistic3A_50, %logistic3A_48 : vector<1280x64xf32>
    %logistic3A_52 = arith.divf %logistic3A_50, %logistic3A_51 : vector<1280x64xf32>
    %mul3A_53 = arith.mulf %mul3A_46, %logistic3A_52 : vector<1280x64xf32>
    %mul3A_54 = arith.constant 1.67532051 : f32
    %mul3A_55 = vector.broadcast %mul3A_54 : f32 to vector<1280x64xf32>
    %mul3A_56 = arith.mulf %mul3A_53, %mul3A_55 : vector<1280x64xf32>
    %get3A_57 = arith.constant 0 : index
    %get3A_58 = arith.constant 0 : index
    %get3A_59 = vector.load %arg6[%get3A_57, %get3A_58] : memref<64x256xf32, #tpu.memory_space<vmem>>, vector<64x256xf32>
    %dot_general3A_60 = arith.constant dense<0.000000e+00> : vector<1280x256xf32>
    %dot_general3A_61 = tpu.matmul %mul3A_56, %get3A_59, %dot_general3A_60 {dimension_numbers = #tpu.dot_dimension_numbers<[1], [0], [0], [1], [0, 0, 1, 1], [], []>, transpose_lhs_hint = false} : vector<1280x64xf32>, vector<64x256xf32>, vector<1280x256xf32> -> vector<1280x256xf32>
    %mul3A_62 = arith.constant 3.125000e-02 : f32
    %mul3A_63 = vector.broadcast %mul3A_62 : f32 to vector<1280x256xf32>
    %mul3A_64 = arith.mulf %dot_general3A_61, %mul3A_63 : vector<1280x256xf32>
    %slice3A_65 = vector.extract_strided_slice %mul3A_64 {offsets = [0, 0], sizes = [1280, 128], strides = [1, 1]} : vector<1280x256xf32> to vector<1280x128xf32>
    %slice3A_66 = vector.extract_strided_slice %mul3A_64 {offsets = [0, 128], sizes = [1280, 128], strides = [1, 1]} : vector<1280x256xf32> to vector<1280x128xf32>
    %mul3A_67 = arith.mulf %reshape3A, %slice3A_66 : vector<1280x128xf32>
    %mul3A_68 = arith.mulf %reshape3A, %slice3A_65 : vector<1280x128xf32>
    %slice3A_69 = vector.extract_strided_slice %get3A_5 {offsets = [0, 16], sizes = [1280, 1], strides = [1, 1]} : vector<1280x19xf32> to vector<1280x1xf32>
    %mul3A_70 = vector.broadcast %slice3A_69 : vector<1280x1xf32> to vector<1280x128xf32>
    %mul3A_71 = arith.mulf %mul3A_67, %mul3A_70 : vector<1280x128xf32>
    %slice3A_72 = vector.extract_strided_slice %get3A_5 {offsets = [0, 17], sizes = [1280, 1], strides = [1, 1]} : vector<1280x19xf32> to vector<1280x1xf32>
    %mul3A_73 = vector.broadcast %slice3A_72 : vector<1280x1xf32> to vector<1280x128xf32>
    %mul3A_74 = arith.mulf %mul3A_67, %mul3A_73 : vector<1280x128xf32>
    %slice3A_75 = vector.extract_strided_slice %get3A_5 {offsets = [0, 18], sizes = [1280, 1], strides = [1, 1]} : vector<1280x19xf32> to vector<1280x1xf32>
    %mul3A_76 = vector.broadcast %slice3A_75 : vector<1280x1xf32> to vector<1280x128xf32>
    %mul3A_77 = arith.mulf %mul3A_67, %mul3A_76 : vector<1280x128xf32>
    %stack3A = vector.shape_cast %mul3A_68 : vector<1280x128xf32> to vector<1x1280x128xf32>
    %stack3A_78 = vector.shape_cast %mul3A_71 : vector<1280x128xf32> to vector<1x1280x128xf32>
    %stack3A_79 = vector.shape_cast %mul3A_74 : vector<1280x128xf32> to vector<1x1280x128xf32>
    %stack3A_80 = vector.shape_cast %mul3A_77 : vector<1280x128xf32> to vector<1x1280x128xf32>
    %stack3A_81 = tpu.concatenate %stack3A, %stack3A_78, %stack3A_79, %stack3A_80 in 0 : vector<1x1280x128xf32>, vector<1x1280x128xf32>, vector<1x1280x128xf32>, vector<1x1280x128xf32> -> vector<4x1280x128xf32>
    %reshape3A_82 = vector.shape_cast %stack3A_81 : vector<4x1280x128xf32> to vector<4x10x128x128xf32>
    %swap3A = arith.constant 0 : index
    %swap3A_83 = arith.constant 0 : index
    %swap3A_84 = arith.constant 0 : index
    %swap3A_85 = arith.constant 0 : index
    %swap3A_86 = vector.load %arg7[%swap3A, %swap3A_83, %swap3A_84, %swap3A_85] : memref<4x10x128x128xf32, #tpu.memory_space<vmem>>, vector<4x10x128x128xf32>
    tpu.vector_store %arg7[%swap3A, %swap3A_83, %swap3A_84, %swap3A_85], %reshape3A_82 {strides = array<i32>} : memref<4x10x128x128xf32, #tpu.memory_space<vmem>>, vector<4x10x128x128xf32>,
    return
  }
  func.func @transform_0(%arg0: i32) -> (i32, i32, i32) {
    %add3A = arith.constant 64 : i32
    %add3A_0 = arith.addi %arg0, %add3A : i32
    %c0_i32 = arith.constant 0 : i32
    %c0_i32_1 = arith.constant 0 : i32
    %c0_i32_2 = arith.constant 0 : i32
    return %add3A_0, %c0_i32, %c0_i32_1 : i32, i32, i32
  }
  func.func @transform_1(%arg0: i32) -> (i32, i32) {
    %add3A = arith.constant 64 : i32
    %add3A_0 = arith.addi %arg0, %add3A : i32
    %c0_i32 = arith.constant 0 : i32
    %c0_i32_1 = arith.constant 0 : i32
    return %add3A_0, %c0_i32 : i32, i32
  }
  func.func @transform_2(%arg0: i32) -> (i32, i32) {
    %c0_i32 = arith.constant 0 : i32
    %c0_i32_0 = arith.constant 0 : i32
    %c0_i32_1 = arith.constant 0 : i32
    return %c0_i32, %c0_i32_0 : i32, i32
  }
  func.func @transform_3(%arg0: i32) -> (i32, i32) {
    %c0_i32 = arith.constant 0 : i32
    %c0_i32_0 = arith.constant 0 : i32
    %c0_i32_1 = arith.constant 0 : i32
    return %c0_i32, %c0_i32_0 : i32, i32
  }
  func.func @transform_4(%arg0: i32) -> (i32, i32) {
    %c0_i32 = arith.constant 0 : i32
    %c0_i32_0 = arith.constant 0 : i32
    %c0_i32_1 = arith.constant 0 : i32
    return %c0_i32, %c0_i32_0 : i32, i32
  }
  func.func @transform_5(%arg0: i32) -> (i32, i32) {
    %c0_i32 = arith.constant 0 : i32
    %c0_i32_0 = arith.constant 0 : i32
    %c0_i32_1 = arith.constant 0 : i32
    return %c0_i32, %c0_i32_0 : i32, i32
  }
  func.func @transform_6(%arg0: i32) -> (i32, i32, i32, i32) {
    %c0_i32 = arith.constant 0 : i32
    %c0_i32_0 = arith.constant 0 : i32
    %c0_i32_1 = arith.constant 0 : i32
    %c0_i32_2 = arith.constant 0 : i32
    return %c0_i32, %arg0, %c0_i32_0, %c0_i32_1 : i32, i32, i32, i32
  }
}

module attributes {stable_mosaic.version = 14 : i64} {
  func.func @_ep_body(%arg0: i32, %arg1: memref<4x2000x128xf32, #tpu.memory_space<vmem>>, %arg2: memref<384x384xf32, #tpu.memory_space<vmem>>, %arg3: memref<2000x512xf32, #tpu.memory_space<vmem>>) attributes {dimension_semantics = [#tpu.dimension_semantics<arbitrary>], iteration_bounds = array<i64: 5>, scalar_prefetch = 0 : i64, scratch_operands = 0 : i64, tpu.core_type = #tpu.core_type<tc>, window_params = [{transform_indices = @transform_0, window_bounds = array<i64: 4, 2000, 128>}, {pipeline_mode = #tpu.pipeline_mode<synchronous>, transform_indices = @transform_1, window_bounds = array<i64: 384, 384>}, {transform_indices = @transform_2, window_bounds = array<i64: 2000, 512>}]} {
    %get3A = arith.constant 0 : index
    %get3A_0 = arith.constant 0 : index
    %get3A_1 = arith.constant 0 : index
    %get3A_2 = vector.load %arg1[%get3A, %get3A_0, %get3A_1] : memref<4x2000x128xf32, #tpu.memory_space<vmem>>, vector<1x2000x128xf32>
    %get3A_3 = vector.shape_cast %get3A_2 : vector<1x2000x128xf32> to vector<2000x128xf32>
    %get3A_4 = arith.constant 1 : index
    %get3A_5 = arith.constant 0 : index
    %get3A_6 = arith.constant 0 : index
    %get3A_7 = vector.load %arg1[%get3A_4, %get3A_5, %get3A_6] : memref<4x2000x128xf32, #tpu.memory_space<vmem>>, vector<1x2000x128xf32>
    %get3A_8 = vector.shape_cast %get3A_7 : vector<1x2000x128xf32> to vector<2000x128xf32>
    %get3A_9 = arith.constant 2 : index
    %get3A_10 = arith.constant 0 : index
    %get3A_11 = arith.constant 0 : index
    %get3A_12 = vector.load %arg1[%get3A_9, %get3A_10, %get3A_11] : memref<4x2000x128xf32, #tpu.memory_space<vmem>>, vector<1x2000x128xf32>
    %get3A_13 = vector.shape_cast %get3A_12 : vector<1x2000x128xf32> to vector<2000x128xf32>
    %get3A_14 = arith.constant 3 : index
    %get3A_15 = arith.constant 0 : index
    %get3A_16 = arith.constant 0 : index
    %get3A_17 = vector.load %arg1[%get3A_14, %get3A_15, %get3A_16] : memref<4x2000x128xf32, #tpu.memory_space<vmem>>, vector<1x2000x128xf32>
    %get3A_18 = vector.shape_cast %get3A_17 : vector<1x2000x128xf32> to vector<2000x128xf32>
    %concatenate3A = tpu.concatenate %get3A_8, %get3A_13, %get3A_18 in 1 : vector<2000x128xf32>, vector<2000x128xf32>, vector<2000x128xf32> -> vector<2000x384xf32>
    %get3A_19 = arith.constant 0 : index
    %get3A_20 = arith.constant 0 : index
    %get3A_21 = vector.load %arg2[%get3A_19, %get3A_20] : memref<384x384xf32, #tpu.memory_space<vmem>>, vector<384x384xf32>
    %dot_general3A = arith.constant dense<0.000000e+00> : vector<2000x384xf32>
    %dot_general3A_22 = tpu.matmul %concatenate3A, %get3A_21, %dot_general3A {dimension_numbers = #tpu.dot_dimension_numbers<[1], [0], [0], [1], [0, 0, 1, 1], [], []>, precision = #tpu.contract_precision<fp32>, transpose_lhs_hint = false} : vector<2000x384xf32>, vector<384x384xf32>, vector<2000x384xf32> -> vector<2000x384xf32>
    %concatenate3A_23 = tpu.concatenate %get3A_3, %dot_general3A_22 in 1 : vector<2000x128xf32>, vector<2000x384xf32> -> vector<2000x512xf32>
    %swap3A = arith.constant 0 : index
    %swap3A_24 = arith.constant 0 : index
    %swap3A_25 = vector.load %arg3[%swap3A, %swap3A_24] : memref<2000x512xf32, #tpu.memory_space<vmem>>, vector<2000x512xf32>
    tpu.vector_store %arg3[%swap3A, %swap3A_24], %concatenate3A_23 {strides = array<i32>} : memref<2000x512xf32, #tpu.memory_space<vmem>>, vector<2000x512xf32>,
    return
  }
  func.func @transform_0(%arg0: i32) -> (i32, i32, i32) {
    %c0_i32 = arith.constant 0 : i32
    %c0_i32_0 = arith.constant 0 : i32
    %c0_i32_1 = arith.constant 0 : i32
    return %c0_i32, %arg0, %c0_i32_0 : i32, i32, i32
  }
  func.func @transform_1(%arg0: i32) -> (i32, i32) {
    %c0_i32 = arith.constant 0 : i32
    %c0_i32_0 = arith.constant 0 : i32
    %c0_i32_1 = arith.constant 0 : i32
    return %c0_i32, %c0_i32_0 : i32, i32
  }
  func.func @transform_2(%arg0: i32) -> (i32, i32) {
    %c0_i32 = arith.constant 0 : i32
    %c0_i32_0 = arith.constant 0 : i32
    return %arg0, %c0_i32 : i32, i32
  }
}

</mosaic_0001>

<sc_bundles>
// kernel: kernel.11.cloned.1.call-start
scs
__scs_entry_jumppad:
0x0: {  	(pc) =	sbr.rel $0x88, $3  }
0x1: {  	(tag) =	ssettag $0x0;
	lr =	simm.s32 $0x1  }
0x2: {  	[smem:$0x3F99] =	sst lr;
	_ =	strace $0xD0000000  }
0x3: {  	_ = 	snop  }
0x4: {  	_ = 	snop  }
0x5: {  	_ = 	snop  }
0x6: {  	_ = 	snop  }
0x7: {  	_ = 	snop  }
__scs_overlays_trampoline_lowered:
0x8: {  	[smem:$0x3FA8] =	sst s0  }
0x9: {  	[smem:$0x3FA9] =	sst s1  }
0xa: {  	[smem:$0x3FAA] =	sst s2  }
0xb: {  	[smem:$0x3FAB] =	sst s3  }
0xc: {  	[smem:$0x3FAC] =	sst s4  }
0xd: {  	[smem:$0x3FAD] =	sst s5  }
0xe: {  	[smem:$0x3FAE] =	sst s6  }
0xf: {  	[smem:$0x3FAF] =	sst s7  }
0x10: {  	[smem:$0x3FB0] =	sst s8  }
0x11: {  	[smem:$0x3FB1] =	sst s9;
	s0 =	simm.s32 @!p0 $0x0  }
0x12: {  	s1 =	sld [smem:$0x3F97];
	s0 =	simm.s32 @p0 $0x1  }
0x13: {  	[smem:$0x3FB2] =	sst s0;
	s0 =	simm.s32 @!p1 $0x0  }
0x14: {  	s2 =	sld [smem:$0x3F96];
	s0 =	simm.s32 @p1 $0x1  }
0x15: {  	[smem:$0x3FB3] =	sst s0;
	s0 =	simm.s32 @!p2 $0x0  }
0x16: {  	s3 =	sld [smem:$0x3FDB];
	s0 =	simm.s32 @p2 $0x1  }
0x17: {  	s4 =	simm.s32 $0x1BF5;
	[smem:$0x3FB5] =	sst s0  }
0x18: {  	s0 =	sld [smem:$0x3F98];
	_ =	swait.ge [sflag:s4], $0x0  }
0x19: {  	s7 =	sld [smem:$0x3F99]  }
0x1a: {  	s8 =	sadd.s32 $0xFFFFE003, lr  }
0x1b: {  	s9 =	sadd.s32 $0xFFFFFEF7, lr;
	s5 =	simm.s32 $0xFFFFFFFF;
	p2 =	slt.u32 s8, $0xFFFFF086  }
0x1c: {  	p1 =	slt.u32 s9, $0xF7A;
	s5 =	simm.s32 @!p2 $0x0  }
0x1d: {  	s5 =	simm.s32 @p1 $0x1;
	p0 =	seq.s32 s7, s2  }
0x1e: {  	s7 =	smul.u32 @!p0 $0xF7A, s2;
	p2 =	seq.s32 @!p0 s5, $0x0  }
0x1f: {  	s9 =	smul.u32 $0xF7A, s1;
	s8 =	simm.s32 @!p0 $0x1BF5;
	p2 =	por !p2, p0  }
0x20: {  	[sflag:s8] =	ssyncset.s32 @!p0 $0xFFFFF086;
	s6 =	sadd.s32 @!p0 s3, s7;
	s7 =	simm.s32 @!p0 $0x108  }
0x21: {  	s3 =	sadd.s32 s3, s9;
	s6 =	sadd.s32 @!p0 $0x88, s6;
	s7 =	simm.s32 @p2 $0x1082  }
0x22: {  	[simem:s7], [sflag:s8] =	dma.local @!p0 [hbm:s6], $0xF7A  }
0x23: {  	s9 =	sor.u32 $0xD0000000, s2;
	s6 =	simm.s32 $0x108;
	_ =	swait.ge @!p0 [sflag:s8], $0x0  }
0x24: {  	s3 =	sadd.s32 $0x88, s3;
	s6 =	simm.s32 @!p1 $0x1082;
	[sflag:s4] =	ssyncset.s32 $0xFFFFF086  }
0x25: {  	[simem:s6], [sflag:s4] =	dma.local [hbm:s3], $0xF7A  }
0x26: {  	[smem:$0x3F99] =	sst s1;
	(tag) =	ssettag s2;
	_ =	strace s9  }
0x27: {  	s1 =	sld [smem:$0x3FA9]  }
0x28: {  	s2 =	sld [smem:$0x3FAA]  }
0x29: {  	s4 =	sld [smem:$0x3FAC]  }
0x2a: {  	p0 =	seq.s32 s5, $0x0;
	s5 =	sld [smem:$0x3FAD]  }
0x2b: {  	s6 =	sld [smem:$0x3FAE]  }
0x2c: {  	s7 =	sld [smem:$0x3FAF]  }
0x2d: {  	s3 =	simm.s32 $0x108;
	s8 =	sld [smem:$0x3FB0]  }
0x2e: {  	s3 =	simm.s32 @!p0 $0x1082;
	s9 =	sld [smem:$0x3FB1]  }
0x2f: {  	lr =	sadd.s32 s0, s3;
	s0 =	sld [smem:$0x3FA8]  }
0x30: {  	s3 =	sld [smem:$0x3FAB]  }
0x31: {  	[smem:$0x3FB4] =	sst s10  }
0x32: {  	s10 =	sld [smem:$0x3FB2];
	_ =	sdelay $0x3  }
0x33: {  	p0 =	seq.s32 s10, $0x1;
	s10 =	sld [smem:$0x3FB4];
	_ =	sdelay $0x3  }
0x34: {  	[smem:$0x3FB4] =	sst s10  }
0x35: {  	s10 =	sld [smem:$0x3FB3];
	_ =	sdelay $0x3  }
0x36: {  	p1 =	seq.s32 s10, $0x1;
	s10 =	sld [smem:$0x3FB4];
	_ =	sdelay $0x3  }
0x37: {  	[smem:$0x3FB4] =	sst s10  }
0x38: {  	s10 =	sld [smem:$0x3FB5]  }
0x39: {  	_ = 	snop;
	(pc) =	sbr.ind lr, $3  }
0x3a: {  	_ = 	snop  }
0x3b: {  	_ = 	snop  }
0x3c: {  	p2 =	seq.s32 s10, $0x1;
	s10 =	sld [smem:$0x3FB4]  }
0x3d: {  	_ =	shalt  }
0x3e: {  	_ =	shalt  }
0x3f: {  	_ =	shalt  }
0x40: {  	_ =	shalt  }
0x41: {  	_ =	shalt  }
0x42: {  	_ =	shalt  }
0x43: {  	_ =	shalt  }
0x44: {  	_ =	shalt  }
0x45: {  	_ =	shalt  }
0x46: {  	_ =	shalt  }
0x47: {  	_ =	shalt  }
0x48: {  	_ =	shalt  }
0x49: {  	_ =	shalt  }
0x4a: {  	_ =	shalt  }
0x4b: {  	_ =	shalt  }
0x4c: {  	_ =	shalt  }
0x4d: {  	_ =	shalt  }
0x4e: {  	_ =	shalt  }
0x4f: {  	_ =	shalt  }
0x50: {  	_ =	shalt  }
0x51: {  	_ =	shalt  }
0x52: {  	_ =	shalt  }
0x53: {  	_ =	shalt  }
0x54: {  	_ =	shalt  }
0x55: {  	_ =	shalt  }
0x56: {  	_ =	shalt  }
0x57: {  	_ =	shalt  }
0x58: {  	_ =	shalt  }
0x59: {  	_ =	shalt  }
0x5a: {  	_ =	shalt  }
0x5b: {  	_ =	shalt  }
0x5c: {  	_ =	shalt  }
0x5d: {  	_ =	shalt  }
0x5e: {  	_ =	shalt  }
0x5f: {  	_ =	shalt  }
0x60: {  	_ =	shalt  }
0x61: {  	_ =	shalt  }
0x62: {  	_ =	shalt  }
0x63: {  	_ =	shalt  }
0x64: {  	_ =	shalt  }
0x65: {  	_ =	shalt  }
0x66: {  	_ =	shalt  }
0x67: {  	_ =	shalt  }
0x68: {  	_ =	shalt  }
0x69: {  	_ =	shalt  }
0x6a: {  	_ =	shalt  }
0x6b: {  	_ =	shalt  }
0x6c: {  	_ =	shalt  }
0x6d: {  	_ =	shalt  }
0x6e: {  	_ =	shalt  }
0x6f: {  	_ =	shalt  }
0x70: {  	_ =	shalt  }
0x71: {  	_ =	shalt  }
0x72: {  	_ =	shalt  }
0x73: {  	_ =	shalt  }
0x74: {  	_ =	shalt  }
0x75: {  	_ =	shalt  }
0x76: {  	_ =	shalt  }
0x77: {  	_ =	shalt  }
0x78: {  	_ =	shalt  }
0x79: {  	_ =	shalt  }
0x7a: {  	_ =	shalt  }
0x7b: {  	_ =	shalt  }
0x7c: {  	_ =	shalt  }
0x7d: {  	_ =	shalt  }
0x7e: {  	_ =	shalt  }
0x7f: {  	_ =	shalt  }
0x80: {  	_ =	shalt  }
0x81: {  	_ =	shalt  }
0x82: {  	_ =	shalt  }
0x83: {  	_ =	shalt  }
0x84: {  	_ =	shalt  }
0x85: {  	_ =	shalt  }
0x86: {  	_ =	shalt  }
0x87: {  	_ =	shalt  }
.Lfunc_end0:
.L_simem_size_0:
called_computation.1_lowered:
.L_overlay_start_0:
0x88: {  	s2 =	sld [smem:$0x3FD9]  }
0x89: {  	s3 =	sld [smem:$0x3FFE];
	_ =	sdelay $0x1  }
0x8a: {  	s1 =	srdreg.scid  }
0x8b: {  	s0 =	sand.u32 $0x1, s1  }
0x8c: {  	s16 =	sshll.u32 s0, $0xA;
	s2 =	sadd.s32 s3, s2  }
0x8d: {  	s2 =	sadd.s32 s2, s16  }
0x8e: {  	[smem:$0x3FC0] =	sst s2  }
0x8f: {  	_ = 	snop  }
0x90: {  	(tm) =	ssettm $0x1  }
0x91: {  	s17 =	sld [smem:$0x3FFB];
	_ =	sdelay $0x3  }
0x92: {  	_ =	strace s17  }
0x93: {  	s2 =	sld [smem:$0x3FFC];
	_ =	sdelay $0x3  }
0x94: {  	_ =	strace s2  }
0x95: {  	s2 =	sld [smem:$0x3FFD];
	_ =	sdelay $0x3  }
0x96: {  	_ =	strace s2  }
0x97: {  	_ =	strace $0x8FFFFFFF  }
0x98: {  	s18 =	sld [smem:$0x3FDB];
	_ =	sdelay $0x1  }
0x99: {  	s19 =	simm.s32 $_scs_section_size  }
0x9a: {  	s4 =	simm.s32 $_size__tile_overlayer_lowered;
	s5 =	simm.s32 $_tile_overlayer_lowered  }
0x9b: {  	s22 =	simm.s32 $0x1BFF;
	s21 =	sshll.u32 s5, $0x1;
	s2 =	sadd.s32 s19, s18  }
0x9c: {  	s6 =	simm.s32 $0x0;
	s20 =	sshll.u32 s4, $0x1;
	s4 =	sadd.s32 s21, s2  }
0x9d: {  	[timem:s6], [sflag:s22] =	dma.local [hbm:s4], s20  }
0x9e: {  	_ =	swait.ge [sflag:s22], s20  }
0x9f: {  	s3 =	ssub.s32 $0x0, s20;
	[sflag:s22] =	ssyncset.done $0x0  }
0xa0: {  	[sflag:s22] =	ssyncadd.s32 s3;
	_ =	sdelay $0x1  }
0xa1: {  	s23 =	simm.s32 $0x1B8B  }
0xa2: {  	_ =	swait.ge [sflag:s23], $0x1  }
0xa3: {  	[sflag:s23] =	ssyncset.done $0x0  }
0xa4: {  	s25 =	simm.s32 $0x1B8E;
	s24 =	sld [smem:$0x3FFE];
	[sflag:s23] =	ssyncadd.s32 $0xFFFFFFFF  }
0xa5: {  	s26 =	simm.s32 $execute0_lowered;
	[smem:$0x3FD2] =	sst s25  }
0xa6: {  	s4 =	sshll.u32 s26, $0x1;
	_ =	strace $0x80000049;
	[dreg:$0x1] =	wrdreg $0xFFFFFFFF  }
0xa7: {  	s28 =	simm.s32 $_size_execute0_lowered;
	s2 =	sadd.s32 s2, s4;
	[dreg:$0x0] =	wrdreg $0x0  }
0xa8: {  	s4 =	sshll.u32 s28, $0x1;
	[dreg:$0x2] =	wrdreg s2  }
0xa9: {  	[dreg:$0x3] =	wrdreg s4  }
0xaa: {  	[dreg:$0x4] =	wrdreg $0xC0  }
0xab: {  	_ =	task [dreg:s6], $0x5FFFF  }
0xac: {  	[dreg:$0x1] =	wrdreg $0xFFFFFFFF  }
0xad: {  	[dreg:$0x0] =	wrdreg $0x60  }
0xae: {  	[dreg:$0x2] =	wrdreg s24  }
0xaf: {  	[dreg:$0x3] =	wrdreg $0x0  }
0xb0: {  	[dreg:$0x4] =	wrdreg $0x9  }
0xb1: {  	_ =	task.clear_ibuf [dreg:s6], $0x5FFFF;
	_ =	strace $0x90000049  }
0xb2: {  	s29 =	simm.s32 $0x9;
	_ =	strace $0x8000004B  }
0xb3: {  	_ =	swait.ge [sflag:s29], $0x1  }
0xb4: {  	[sflag:s29] =	ssyncadd.s32 $0xFFFFFFFF  }
0xb5: {  	_ =	strace $0x9000004B  }
0xb6: {  	_ =	sfence  }
0xb7: {  	s30 =	sld [smem:$0x0];
	_ =	sdelay $0x2  }
0xb8: {  	s31 =	sshll.u32 s1, $0xD;
	s1 =	sshrl.u32 s1, $0x2  }
0xb9: {  	s3 =	sand.u32 $0x4000, s31;
	s1 =	sadd.s32 s1, s30  }
0xba: {  	s0 =	sor.u32 s3, s0;
	s1 =	sshll.u32 s1, $0x11  }
0xbb: {  	s0 =	sor.u32 s1, s0  }
0xbc: {  	s0 =	sadd.s32 $0x8F2B, s0  }
0xbd: {  	[sflag:s0] =	ssyncadd.remote.s32 $0x1  }
0xbe: {  	_ =	sfence.sel $0xFFFF  }
0xbf: {  	[dreg:$0x0] =	wrdreg $0xFFFFFFFF;
	(pc) =	sbr.abs _section_cstart, $3  }
0xc0: {  	[dreg:$0x1] =	wrdreg $0xFFFFFFFF  }
0xc1: {  	_ =	task.clear_ibuf [dreg:s6], $0x2FFFF;
	_ =	strace $0x9FFFFFFF  }
0xc2: {  	(tm) =	ssettm $0x7FFFFFFF  }
0xc3: {  	_ =	shalt  }
tec
execute0_lowered:
.L_overlay_start_1:
0x0: {  	(tag) =	ssettag $0x1  }
0x1: {  	s4 =	rddreg [dreg:$0x0]  }
0x2: {  	s2 =	rddreg [dreg:$0x1]  }
0x3: {  	s0 =	rddreg [dreg:$0x2];
	s3 =	simm.s32 $0x0;
	s1 =	stileid.u32  }
0x4: {  	s6 =	srdreg.scid;
	s18 =	simm.s32 $0x15400;
	s5 =	smul.u32 $0x280, s1  }
0x5: {  	[smem:$0x7FF] =	sst s3;
	s13 =	sadd.s32 $0x4F8400, s4;
	s7 =	smul.u32 $0x50000, s1  }
0x6: {  	s6 =	sand.u32 $0x1, s6;
	s8 =	smul.u32 $0x14000, s1;
	s9 =	sadd.s32 $0x9F8400, s4  }
0x7: {  	s12 =	sadd.s32 $0xA98400, s4;
	s15 =	smul.u32 $0xA0000, s1;
	s16 =	sshll.u32 s1, $0x6  }
0x8: {  	_ =	strace $0x8000004A;
	s10 =	ssub.s32 $0x2, s6;
	s11 =	smul.u32 $0x280000, s6  }
0x9: {  	s14 =	smul.u32 $0x1400000, s6;
	s20 =	sshllo.u32 s6, $0x1;
	s16 =	sor.u32 $0x1C03, s16  }
0xa: {  	s5 =	sadd.s32 s5, s4;
	s19 =	sshrl.u32 s10, $0x1;
	s21 =	sshrl.u32 s7, $0x2  }
0xb: {  	s23 =	smul.u32 $0x140000, s20;
	s20 =	simm.s32 $0x1;
	s10 =	ssub.s32 s10, s19  }
0xc: {  	s22 =	sadd.s32 s8, s11;
	s4 =	sadd.s32 $0x4F3400, s5;
	s17 =	sadd.s32 s21, s2  }
0xd: {  	s26 =	sadd.s32 s15, s14;
	s19 =	simm.s32 $0x19400;
	s21 =	simm.s32 $0x80  }
0xe: {  	s24 =	sshrl.u32 s22, $0x3;
	s25 =	sadd.s32 s8, s23;
	s14 =	sor.u32 $0x4000, s26  }
0xf: {  	s29 =	sadd.s32 $0xA04000, s26;
	s30 =	sshrl.u32 s26, $0x3;
	s15 =	sadd.s32 $0xA00000, s26  }
0x10: {  	s17 =	sshrl.u32 s17, $0x3;
	s22 =	simm.s32 $0x2;
	s23 =	simm.s32 $0x0  }
0x11: {  	s5 =	sadd.s32 s9, s24;
	s6 =	sadd.s32 s12, s24;
	s8 =	sshrl.u32 s25, $0x3  }
0x12: {  	s28 =	sshrl.u32 s14, $0x3;
	s11 =	sadd.s32 s30, s13;
	s31 =	sshrl.u32 s15, $0x3  }
0x13: {  	s14 =	simm.s32 $0x14000;
	s15 =	simm.s32 $0x3;
	s7 =	sadd.s32 s9, s8  }
0x14: {  	s8 =	sadd.s32 s12, s8;
	s9 =	smax.u32 s10, $0x1;
	s12 =	sshrl.u32 s29, $0x3  }
0x15: {  	s10 =	sadd.s32 s28, s13;
	s12 =	sadd.s32 s12, s13;
	s13 =	sadd.s32 s31, s13  }
.LBB2_1:
0x16: {  	[tilespmem:s14], [sflag:$0x3] =	stream.linear.gather [hbm4b:s4+s3], $0x1400, $0x38;
	[tilespmem:$0x1D400] =	vst v63  }
0x17: {  	_ =	swait.ge [sflag:s15], $0x1400  }
0x18: {  	[sflag:s15] =	ssyncset.done $0x0  }
0x19: {  	[sflag:s15] =	ssyncadd.s32 $0xFFFFEC00  }
0x1a: {  	[spmem:s17], [sflag:s16] =	dma.local [hbm:s5], $0x2800  }
0x1b: {  	_ =	swait.ge [sflag:s15], $0x2800  }
0x1c: {  	[sflag:s15] =	ssyncset.done $0x0  }
0x1d: {  	[sflag:s15] =	ssyncadd.s32 $0xFFFFD800  }
0x1e: {  	s24 =	sadd.s32 $0x0, s11;
	[bflag:$0x0] =	sbarrier.arrive $0xFFFF  }
0x1f: {  	[tilespmem:s18], [sflag:$0x1] =	stream.linear.gather [hbm4b:s24+s3], $0x4000, $0x38;
	[tilespmem:$0x1D400] =	vst v63  }
0x20: {  	s29 =	sadd.s32 $0x0, s10  }
0x21: {  	[tilespmem:s19], [sflag:$0x2] =	stream.linear.gather [hbm4b:s29+s3], $0x4000, $0x38;
	[tilespmem:$0x1D400] =	vst v63  }
0x22: {  	_ =	swait.ge [sflag:s20], $0x4000  }
0x23: {  	[sflag:s20] =	ssyncset.done $0x0  }
0x24: {  	s30 =	simm.s32 $0x14000;
	[sflag:s20] =	ssyncadd.s32 $0xFFFFC000  }
0x25: {  	[spmem:s2] =	stream.indirect.scatter.add.f32 [tilespmem:s18], [sflag:$0x3], $0x80, s30, s21, $0xb8;
	[tilespmem:$0x1D400] =	vst v63  }
0x26: {  	_ =	swait.ge [sflag:s15], $0x4000  }
0x27: {  	[sflag:s15] =	ssyncset.done $0x0  }
0x28: {  	[sflag:s15] =	ssyncadd.s32 $0xFFFFC000  }
0x29: {  	_ =	swait.ge [sflag:s22], $0x4000  }
0x2a: {  	[sflag:s22] =	ssyncset.done $0x0  }
0x2b: {  	s31 =	simm.s32 $0x14080;
	[sflag:s22] =	ssyncadd.s32 $0xFFFFC000  }
0x2c: {  	[spmem:s2] =	stream.indirect.scatter.add.f32 [tilespmem:s19], [sflag:$0x3], $0x80, s31, s21, $0xb8;
	[tilespmem:$0x1D400] =	vst v63  }
0x2d: {  	s25 =	simm.s32 $0x1000;
	_ =	swait.ge [sflag:s15], $0x4000  }
0x2e: {  	s26 =	simm.s32 $0x2000;
	s24 =	simm.s32 $0x14180;
	[sflag:s15] =	ssyncset.done $0x0  }
.LBB2_2:
0x2f: {  	s28 =	sadd.s32 s25, s11  }
0x30: {  	[sflag:s15] =	ssyncadd.s32 $0xFFFFC000;
	s29 =	smov.u32 s26;
	s30 =	sadd.s32 $0x1000, s26  }
0x31: {  	[tilespmem:s18], [sflag:$0x1] =	stream.linear.gather [hbm4b:s28+s3], $0x4000, $0x38;
	[tilespmem:$0x1D400] =	vst v63  }
0x32: {  	p0 =	sne.s32 s26, $0x13000;
	s26 =	sadd.s32 s25, s10;
	s25 =	smov.u32 s29  }
0x33: {  	[tilespmem:s19], [sflag:$0x2] =	stream.linear.gather [hbm4b:s26+s3], $0x4000, $0x38;
	[tilespmem:$0x1D400] =	vst v63  }
0x34: {  	_ =	swait.ge [sflag:s20], $0x4000  }
0x35: {  	[sflag:s20] =	ssyncset.done $0x0  }
0x36: {  	s26 =	sadd.s32 $0xFFFFFF80, s24;
	[sflag:s20] =	ssyncadd.s32 $0xFFFFC000  }
0x37: {  	[spmem:s2] =	stream.indirect.scatter.add.f32 [tilespmem:s18], [sflag:$0x3], $0x80, s26, s21, $0xb8;
	[tilespmem:$0x1D400] =	vst v63  }
0x38: {  	_ =	swait.ge [sflag:s15], $0x4000  }
0x39: {  	[sflag:s15] =	ssyncset.done $0x0  }
0x3a: {  	[sflag:s15] =	ssyncadd.s32 $0xFFFFC000  }
0x3b: {  	_ =	swait.ge [sflag:s22], $0x4000  }
.Ltmp0:
0x3c: {  	[sflag:s22] =	ssyncset.done $0x0;
	(pc) =	sbr.rel @p0 .LBB2_2-.Ltmp0, $4  }
0x3d: {  	[sflag:s22] =	ssyncadd.s32 $0xFFFFC000  }
0x3e: {  	[spmem:s2] =	stream.indirect.scatter.add.f32 [tilespmem:s19], [sflag:$0x3], $0x80, s24, s21, $0xb8;
	[tilespmem:$0x1D400] =	vst v63  }
0x3f: {  	_ =	swait.ge [sflag:s15], $0x4000  }
0x40: {  	s26 =	smov.u32 s30;
	s24 =	sadd.s32 $0x100, s24;
	[sflag:s15] =	ssyncset.done $0x0  }
0x41: {  	s26 =	sadd.s32 s25, s11;
	[sflag:s15] =	ssyncadd.s32 $0xFFFFC000  }
0x42: {  	[tilespmem:s18], [sflag:$0x1] =	stream.linear.gather [hbm4b:s26+s3], $0x4000, $0x38;
	[tilespmem:$0x1D400] =	vst v63  }
0x43: {  	s31 =	sadd.s32 s25, s10  }
0x44: {  	[tilespmem:s19], [sflag:$0x2] =	stream.linear.gather [hbm4b:s31+s3], $0x4000, $0x38;
	[tilespmem:$0x1D400] =	vst v63  }
0x45: {  	_ =	swait.ge [sflag:s20], $0x4000  }
0x46: {  	[sflag:s20] =	ssyncset.done $0x0  }
0x47: {  	s26 =	sadd.s32 $0xFFFFFF80, s24;
	[sflag:s20] =	ssyncadd.s32 $0xFFFFC000  }
0x48: {  	[spmem:s2] =	stream.indirect.scatter.add.f32 [tilespmem:s18], [sflag:$0x3], $0x80, s26, s21, $0xb8;
	[tilespmem:$0x1D400] =	vst v63  }
0x49: {  	_ =	swait.ge [sflag:s15], $0x4000  }
0x4a: {  	[sflag:s15] =	ssyncset.done $0x0  }
0x4b: {  	[sflag:s15] =	ssyncadd.s32 $0xFFFFC000  }
0x4c: {  	_ =	swait.ge [sflag:s22], $0x4000  }
0x4d: {  	[sflag:s22] =	ssyncset.done $0x0  }
0x4e: {  	[sflag:s22] =	ssyncadd.s32 $0xFFFFC000  }
0x4f: {  	[spmem:s2] =	stream.indirect.scatter.add.f32 [tilespmem:s19], [sflag:$0x3], $0x80, s24, s21, $0xb8;
	[tilespmem:$0x1D400] =	vst v63  }
0x50: {  	_ =	swait.ge [sflag:s15], $0x4000  }
0x51: {  	[sflag:s15] =	ssyncset.done $0x0  }
0x52: {  	[sflag:s15] =	ssyncadd.s32 $0xFFFFC000  }
0x53: {  	[bflag:$0x0] =	sbarrier.arrive $0xFFFF  }
0x54: {  	[hbm:s6], [sflag:s16] =	dma.local [spmem:s17], $0x2800  }
0x55: {  	_ =	swait.ge [sflag:s15], $0x2800  }
0x56: {  	[sflag:s15] =	ssyncset.done $0x0  }
0x57: {  	[sflag:s15] =	ssyncadd.s32 $0xFFFFD800  }
0x58: {  	[bflag:$0x0] =	sbarrier.arrive $0xFFFF  }
0x59: {  	[spmem:s17], [sflag:s16] =	dma.local [hbm:s7], $0x2800  }
0x5a: {  	_ =	swait.ge [sflag:s15], $0x2800  }
0x5b: {  	[sflag:s15] =	ssyncset.done $0x0  }
0x5c: {  	[sflag:s15] =	ssyncadd.s32 $0xFFFFD800  }
0x5d: {  	s28 =	sadd.s32 $0x0, s13;
	[bflag:$0x0] =	sbarrier.arrive $0xFFFF  }
0x5e: {  	[tilespmem:s18], [sflag:$0x1] =	stream.linear.gather [hbm4b:s28+s3], $0x4000, $0x38;
	[tilespmem:$0x1D400] =	vst v63  }
0x5f: {  	s29 =	sadd.s32 $0x0, s12  }
0x60: {  	[tilespmem:s19], [sflag:$0x2] =	stream.linear.gather [hbm4b:s29+s3], $0x4000, $0x38;
	[tilespmem:$0x1D400] =	vst v63  }
0x61: {  	_ =	swait.ge [sflag:s20], $0x4000  }
0x62: {  	[sflag:s20] =	ssyncset.done $0x0  }
0x63: {  	s30 =	simm.s32 $0x14000;
	[sflag:s20] =	ssyncadd.s32 $0xFFFFC000  }
0x64: {  	[spmem:s2] =	stream.indirect.scatter.add.f32 [tilespmem:s18], [sflag:$0x3], $0x80, s30, s21, $0xb8;
	[tilespmem:$0x1D400] =	vst v63  }
0x65: {  	_ =	swait.ge [sflag:s15], $0x4000  }
0x66: {  	[sflag:s15] =	ssyncset.done $0x0  }
0x67: {  	[sflag:s15] =	ssyncadd.s32 $0xFFFFC000  }
0x68: {  	_ =	swait.ge [sflag:s22], $0x4000  }
0x69: {  	[sflag:s22] =	ssyncset.done $0x0  }
0x6a: {  	s31 =	simm.s32 $0x14080;
	[sflag:s22] =	ssyncadd.s32 $0xFFFFC000  }
0x6b: {  	[spmem:s2] =	stream.indirect.scatter.add.f32 [tilespmem:s19], [sflag:$0x3], $0x80, s31, s21, $0xb8;
	[tilespmem:$0x1D400] =	vst v63  }
0x6c: {  	s25 =	simm.s32 $0x1000;
	_ =	swait.ge [sflag:s15], $0x4000  }
0x6d: {  	s26 =	simm.s32 $0x2000;
	s24 =	simm.s32 $0x14180;
	[sflag:s15] =	ssyncset.done $0x0  }
.LBB2_4:
0x6e: {  	s28 =	sadd.s32 s25, s13  }
0x6f: {  	[sflag:s15] =	ssyncadd.s32 $0xFFFFC000;
	s29 =	smov.u32 s26;
	s30 =	sadd.s32 $0x1000, s26  }
0x70: {  	[tilespmem:s18], [sflag:$0x1] =	stream.linear.gather [hbm4b:s28+s3], $0x4000, $0x38;
	[tilespmem:$0x1D400] =	vst v63  }
0x71: {  	p0 =	sne.s32 s26, $0x13000;
	s26 =	sadd.s32 s25, s12;
	s25 =	smov.u32 s29  }
0x72: {  	[tilespmem:s19], [sflag:$0x2] =	stream.linear.gather [hbm4b:s26+s3], $0x4000, $0x38;
	[tilespmem:$0x1D400] =	vst v63  }
0x73: {  	_ =	swait.ge [sflag:s20], $0x4000  }
0x74: {  	[sflag:s20] =	ssyncset.done $0x0  }
0x75: {  	s26 =	sadd.s32 $0xFFFFFF80, s24;
	[sflag:s20] =	ssyncadd.s32 $0xFFFFC000  }
0x76: {  	[spmem:s2] =	stream.indirect.scatter.add.f32 [tilespmem:s18], [sflag:$0x3], $0x80, s26, s21, $0xb8;
	[tilespmem:$0x1D400] =	vst v63  }
0x77: {  	_ =	swait.ge [sflag:s15], $0x4000  }
0x78: {  	[sflag:s15] =	ssyncset.done $0x0  }
0x79: {  	[sflag:s15] =	ssyncadd.s32 $0xFFFFC000  }
0x7a: {  	_ =	swait.ge [sflag:s22], $0x4000  }
.Ltmp1:
0x7b: {  	[sflag:s22] =	ssyncset.done $0x0;
	(pc) =	sbr.rel @p0 .LBB2_4-.Ltmp1, $4  }
0x7c: {  	[sflag:s22] =	ssyncadd.s32 $0xFFFFC000  }
0x7d: {  	[spmem:s2] =	stream.indirect.scatter.add.f32 [tilespmem:s19], [sflag:$0x3], $0x80, s24, s21, $0xb8;
	[tilespmem:$0x1D400] =	vst v63  }
0x7e: {  	_ =	swait.ge [sflag:s15], $0x4000  }
0x7f: {  	s26 =	smov.u32 s30;
	s24 =	sadd.s32 $0x100, s24;
	[sflag:s15] =	ssyncset.done $0x0  }
0x80: {  	s26 =	sadd.s32 s25, s13;
	[sflag:s15] =	ssyncadd.s32 $0xFFFFC000  }
0x81: {  	[tilespmem:s18], [sflag:$0x1] =	stream.linear.gather [hbm4b:s26+s3], $0x4000, $0x38;
	[tilespmem:$0x1D400] =	vst v63  }
0x82: {  	s30 =	sadd.s32 s25, s12  }
0x83: {  	[tilespmem:s19], [sflag:$0x2] =	stream.linear.gather [hbm4b:s30+s3], $0x4000, $0x38;
	[tilespmem:$0x1D400] =	vst v63  }
0x84: {  	_ =	swait.ge [sflag:s20], $0x4000  }
0x85: {  	[sflag:s20] =	ssyncset.done $0x0  }
0x86: {  	s31 =	sadd.s32 $0xFFFFFF80, s24;
	[sflag:s20] =	ssyncadd.s32 $0xFFFFC000  }
0x87: {  	[spmem:s2] =	stream.indirect.scatter.add.f32 [tilespmem:s18], [sflag:$0x3], $0x80, s31, s21, $0xb8;
	[tilespmem:$0x1D400] =	vst v63  }
0x88: {  	_ =	swait.ge [sflag:s15], $0x4000  }
0x89: {  	[sflag:s15] =	ssyncset.done $0x0  }
0x8a: {  	[sflag:s15] =	ssyncadd.s32 $0xFFFFC000  }
0x8b: {  	_ =	swait.ge [sflag:s22], $0x4000  }
0x8c: {  	[sflag:s22] =	ssyncset.done $0x0  }
0x8d: {  	[sflag:s22] =	ssyncadd.s32 $0xFFFFC000  }
0x8e: {  	[spmem:s2] =	stream.indirect.scatter.add.f32 [tilespmem:s19], [sflag:$0x3], $0x80, s24, s21, $0xb8;
	[tilespmem:$0x1D400] =	vst v63  }
0x8f: {  	_ =	swait.ge [sflag:s15], $0x4000  }
0x90: {  	[sflag:s15] =	ssyncset.done $0x0  }
0x91: {  	s23 =	sadd.s32 $0x1, s23;
	[sflag:s15] =	ssyncadd.s32 $0xFFFFC000  }
0x92: {  	p0 =	sne.s32 s23, s9;
	[bflag:$0x0] =	sbarrier.arrive $0xFFFF  }
0x93: {  	[hbm:s8], [sflag:s16] =	dma.local [spmem:s17], $0x2800  }
.Ltmp2:
0x94: {  	_ =	swait.ge [sflag:s15], $0x2800;
	(pc) =	sbr.rel @p0 .LBB2_1-.Ltmp2, $3  }
0x95: {  	[sflag:s15] =	ssyncset.done $0x0  }
0x96: {  	[sflag:s15] =	ssyncadd.s32 $0xFFFFD800  }
0x97: {  	[bflag:$0x0] =	sbarrier.arrive $0xFFFF;
	_ =	sdelay $0x1  }
0x98: {  	_ =	sfence.sel $0x180000  }
0x99: {  	[bflag:$0x0] =	sbarrier.arrive $0xFFFF  }
0x9a: {  	p0 =	sne.s32 s1, $0x0;
	_ =	strace $0x9000004A  }
0x9b: {  	s0 =	sadd.s32 @!p0 $0x100000, s0;
	[bflag:$0x2] =	sbarrier.arrive $0xFFFF  }
0x9c: {  	[sflag:s0] =	ssyncadd.tile.s32 @!p0 $0x1;
	_ =	shalt  }
.Lfunc_end2:
_tile_overlayer_lowered:
.L_overlay_start_2:
0x9d: {  	(tag) =	ssettag $0x2  }
0x9e: {  	s0 =	rddreg [dreg:$0x0];
	s2 =	stileid.u32  }
0x9f: {  	s1 =	rddreg [dreg:$0x1];
	p0 =	sne.s32 s2, $0x0  }
0xa0: {  	s3 =	rddreg [dreg:$0x2];
	[bflag:$0x3] =	sbarrier.arrive $0xFFFF;
	s2 =	simm.s32 @!p0 $0x1C03  }
0xa1: {  	[timem:s3], [sflag:s2] =	dma.local @!p0 [hbm:s0], s1  }
0xa2: {  	s0 =	simm.s32 @!p0 $0x3  }
0xa3: {  	_ =	swait.ge @!p0 [sflag:s0], s1  }
0xa4: {  	s1 =	ssub.s32 @!p0 $0x0, s1;
	[sflag:s0] =	ssyncset.done @!p0 $0x0  }
0xa5: {  	[sflag:s0] =	ssyncadd.s32 @!p0 s1  }
0xa6: {  	[bflag:$0x3] =	sbarrier.arrive $0xFFFF  }
0xa7: {  	_ =	shalt  }

// kernel: kernel.14.cloned.1.call-start
scs
__scs_entry_jumppad:
0x0: {  	(pc) =	sbr.rel $0x88, $3  }
0x1: {  	(tag) =	ssettag $0x0;
	lr =	simm.s32 $0x1  }
0x2: {  	[smem:$0x3F99] =	sst lr;
	_ =	strace $0xD0000000  }
0x3: {  	_ = 	snop  }
0x4: {  	_ = 	snop  }
0x5: {  	_ = 	snop  }
0x6: {  	_ = 	snop  }
0x7: {  	_ = 	snop  }
__scs_overlays_trampoline_lowered:
0x8: {  	[smem:$0x3FA8] =	sst s0  }
0x9: {  	[smem:$0x3FA9] =	sst s1  }
0xa: {  	[smem:$0x3FAA] =	sst s2  }
0xb: {  	[smem:$0x3FAB] =	sst s3  }
0xc: {  	[smem:$0x3FAC] =	sst s4  }
0xd: {  	[smem:$0x3FAD] =	sst s5  }
0xe: {  	[smem:$0x3FAE] =	sst s6  }
0xf: {  	[smem:$0x3FAF] =	sst s7  }
0x10: {  	[smem:$0x3FB0] =	sst s8  }
0x11: {  	[smem:$0x3FB1] =	sst s9;
	s0 =	simm.s32 @!p0 $0x0  }
0x12: {  	s1 =	sld [smem:$0x3F97];
	s0 =	simm.s32 @p0 $0x1  }
0x13: {  	[smem:$0x3FB2] =	sst s0;
	s0 =	simm.s32 @!p1 $0x0  }
0x14: {  	s2 =	sld [smem:$0x3F96];
	s0 =	simm.s32 @p1 $0x1  }
0x15: {  	[smem:$0x3FB3] =	sst s0;
	s0 =	simm.s32 @!p2 $0x0  }
0x16: {  	s3 =	sld [smem:$0x3FDB];
	s0 =	simm.s32 @p2 $0x1  }
0x17: {  	s4 =	simm.s32 $0x1BF5;
	[smem:$0x3FB5] =	sst s0  }
0x18: {  	s0 =	sld [smem:$0x3F98];
	_ =	swait.ge [sflag:s4], $0x0  }
0x19: {  	s7 =	sld [smem:$0x3F99]  }
0x1a: {  	s8 =	sadd.s32 $0xFFFFE003, lr  }
0x1b: {  	s9 =	sadd.s32 $0xFFFFFEF7, lr;
	s5 =	simm.s32 $0xFFFFFFFF;
	p2 =	slt.u32 s8, $0xFFFFF086  }
0x1c: {  	p1 =	slt.u32 s9, $0xF7A;
	s5 =	simm.s32 @!p2 $0x0  }
0x1d: {  	s5 =	simm.s32 @p1 $0x1;
	p0 =	seq.s32 s7, s2  }
0x1e: {  	s7 =	smul.u32 @!p0 $0xF7A, s2;
	p2 =	seq.s32 @!p0 s5, $0x0  }
0x1f: {  	s9 =	smul.u32 $0xF7A, s1;
	s8 =	simm.s32 @!p0 $0x1BF5;
	p2 =	por !p2, p0  }
0x20: {  	[sflag:s8] =	ssyncset.s32 @!p0 $0xFFFFF086;
	s6 =	sadd.s32 @!p0 s3, s7;
	s7 =	simm.s32 @!p0 $0x108  }
0x21: {  	s3 =	sadd.s32 s3, s9;
	s6 =	sadd.s32 @!p0 $0x88, s6;
	s7 =	simm.s32 @p2 $0x1082  }
0x22: {  	[simem:s7], [sflag:s8] =	dma.local @!p0 [hbm:s6], $0xF7A  }
0x23: {  	s9 =	sor.u32 $0xD0000000, s2;
	s6 =	simm.s32 $0x108;
	_ =	swait.ge @!p0 [sflag:s8], $0x0  }
0x24: {  	s3 =	sadd.s32 $0x88, s3;
	s6 =	simm.s32 @!p1 $0x1082;
	[sflag:s4] =	ssyncset.s32 $0xFFFFF086  }
0x25: {  	[simem:s6], [sflag:s4] =	dma.local [hbm:s3], $0xF7A  }
0x26: {  	[smem:$0x3F99] =	sst s1;
	(tag) =	ssettag s2;
	_ =	strace s9  }
0x27: {  	s1 =	sld [smem:$0x3FA9]  }
0x28: {  	s2 =	sld [smem:$0x3FAA]  }
0x29: {  	s4 =	sld [smem:$0x3FAC]  }
0x2a: {  	p0 =	seq.s32 s5, $0x0;
	s5 =	sld [smem:$0x3FAD]  }
0x2b: {  	s6 =	sld [smem:$0x3FAE]  }
0x2c: {  	s7 =	sld [smem:$0x3FAF]  }
0x2d: {  	s3 =	simm.s32 $0x108;
	s8 =	sld [smem:$0x3FB0]  }
0x2e: {  	s3 =	simm.s32 @!p0 $0x1082;
	s9 =	sld [smem:$0x3FB1]  }
0x2f: {  	lr =	sadd.s32 s0, s3;
	s0 =	sld [smem:$0x3FA8]  }
0x30: {  	s3 =	sld [smem:$0x3FAB]  }
0x31: {  	[smem:$0x3FB4] =	sst s10  }
0x32: {  	s10 =	sld [smem:$0x3FB2];
	_ =	sdelay $0x3  }
0x33: {  	p0 =	seq.s32 s10, $0x1;
	s10 =	sld [smem:$0x3FB4];
	_ =	sdelay $0x3  }
0x34: {  	[smem:$0x3FB4] =	sst s10  }
0x35: {  	s10 =	sld [smem:$0x3FB3];
	_ =	sdelay $0x3  }
0x36: {  	p1 =	seq.s32 s10, $0x1;
	s10 =	sld [smem:$0x3FB4];
	_ =	sdelay $0x3  }
0x37: {  	[smem:$0x3FB4] =	sst s10  }
0x38: {  	s10 =	sld [smem:$0x3FB5]  }
0x39: {  	_ = 	snop;
	(pc) =	sbr.ind lr, $3  }
0x3a: {  	_ = 	snop  }
0x3b: {  	_ = 	snop  }
0x3c: {  	p2 =	seq.s32 s10, $0x1;
	s10 =	sld [smem:$0x3FB4]  }
0x3d: {  	_ =	shalt  }
0x3e: {  	_ =	shalt  }
0x3f: {  	_ =	shalt  }
0x40: {  	_ =	shalt  }
0x41: {  	_ =	shalt  }
0x42: {  	_ =	shalt  }
0x43: {  	_ =	shalt  }
0x44: {  	_ =	shalt  }
0x45: {  	_ =	shalt  }
0x46: {  	_ =	shalt  }
0x47: {  	_ =	shalt  }
0x48: {  	_ =	shalt  }
0x49: {  	_ =	shalt  }
0x4a: {  	_ =	shalt  }
0x4b: {  	_ =	shalt  }
0x4c: {  	_ =	shalt  }
0x4d: {  	_ =	shalt  }
0x4e: {  	_ =	shalt  }
0x4f: {  	_ =	shalt  }
0x50: {  	_ =	shalt  }
0x51: {  	_ =	shalt  }
0x52: {  	_ =	shalt  }
0x53: {  	_ =	shalt  }
0x54: {  	_ =	shalt  }
0x55: {  	_ =	shalt  }
0x56: {  	_ =	shalt  }
0x57: {  	_ =	shalt  }
0x58: {  	_ =	shalt  }
0x59: {  	_ =	shalt  }
0x5a: {  	_ =	shalt  }
0x5b: {  	_ =	shalt  }
0x5c: {  	_ =	shalt  }
0x5d: {  	_ =	shalt  }
0x5e: {  	_ =	shalt  }
0x5f: {  	_ =	shalt  }
0x60: {  	_ =	shalt  }
0x61: {  	_ =	shalt  }
0x62: {  	_ =	shalt  }
0x63: {  	_ =	shalt  }
0x64: {  	_ =	shalt  }
0x65: {  	_ =	shalt  }
0x66: {  	_ =	shalt  }
0x67: {  	_ =	shalt  }
0x68: {  	_ =	shalt  }
0x69: {  	_ =	shalt  }
0x6a: {  	_ =	shalt  }
0x6b: {  	_ =	shalt  }
0x6c: {  	_ =	shalt  }
0x6d: {  	_ =	shalt  }
0x6e: {  	_ =	shalt  }
0x6f: {  	_ =	shalt  }
0x70: {  	_ =	shalt  }
0x71: {  	_ =	shalt  }
0x72: {  	_ =	shalt  }
0x73: {  	_ =	shalt  }
0x74: {  	_ =	shalt  }
0x75: {  	_ =	shalt  }
0x76: {  	_ =	shalt  }
0x77: {  	_ =	shalt  }
0x78: {  	_ =	shalt  }
0x79: {  	_ =	shalt  }
0x7a: {  	_ =	shalt  }
0x7b: {  	_ =	shalt  }
0x7c: {  	_ =	shalt  }
0x7d: {  	_ =	shalt  }
0x7e: {  	_ =	shalt  }
0x7f: {  	_ =	shalt  }
0x80: {  	_ =	shalt  }
0x81: {  	_ =	shalt  }
0x82: {  	_ =	shalt  }
0x83: {  	_ =	shalt  }
0x84: {  	_ =	shalt  }
0x85: {  	_ =	shalt  }
0x86: {  	_ =	shalt  }
0x87: {  	_ =	shalt  }
.Lfunc_end0:
.L_simem_size_0:
called_computation.2_lowered:
.L_overlay_start_0:
0x88: {  	s2 =	sld [smem:$0x3FD9]  }
0x89: {  	s3 =	sld [smem:$0x3FFE];
	_ =	sdelay $0x1  }
0x8a: {  	s1 =	srdreg.scid  }
0x8b: {  	s0 =	sand.u32 $0x1, s1  }
0x8c: {  	s16 =	sshll.u32 s0, $0xA;
	s2 =	sadd.s32 s3, s2  }
0x8d: {  	s2 =	sadd.s32 s2, s16  }
0x8e: {  	[smem:$0x3FC0] =	sst s2  }
0x8f: {  	_ = 	snop  }
0x90: {  	(tm) =	ssettm $0x1  }
0x91: {  	s17 =	sld [smem:$0x3FFB];
	_ =	sdelay $0x3  }
0x92: {  	_ =	strace s17  }
0x93: {  	s2 =	sld [smem:$0x3FFC];
	_ =	sdelay $0x3  }
0x94: {  	_ =	strace s2  }
0x95: {  	s2 =	sld [smem:$0x3FFD];
	_ =	sdelay $0x3  }
0x96: {  	_ =	strace s2  }
0x97: {  	_ =	strace $0x8FFFFFFF  }
0x98: {  	s18 =	sld [smem:$0x3FDB];
	_ =	sdelay $0x1  }
0x99: {  	s19 =	simm.s32 $_scs_section_size  }
0x9a: {  	s4 =	simm.s32 $_size__tile_overlayer_lowered;
	s5 =	simm.s32 $_tile_overlayer_lowered  }
0x9b: {  	s22 =	simm.s32 $0x1BFF;
	s21 =	sshll.u32 s5, $0x1;
	s2 =	sadd.s32 s19, s18  }
0x9c: {  	s6 =	simm.s32 $0x0;
	s20 =	sshll.u32 s4, $0x1;
	s4 =	sadd.s32 s21, s2  }
0x9d: {  	[timem:s6], [sflag:s22] =	dma.local [hbm:s4], s20  }
0x9e: {  	_ =	swait.ge [sflag:s22], s20  }
0x9f: {  	s3 =	ssub.s32 $0x0, s20;
	[sflag:s22] =	ssyncset.done $0x0  }
0xa0: {  	[sflag:s22] =	ssyncadd.s32 s3;
	_ =	sdelay $0x1  }
0xa1: {  	s23 =	simm.s32 $0x1B8B  }
0xa2: {  	_ =	swait.ge [sflag:s23], $0x1  }
0xa3: {  	[sflag:s23] =	ssyncset.done $0x0  }
0xa4: {  	s25 =	simm.s32 $0x1B8E;
	s24 =	sld [smem:$0x3FFE];
	[sflag:s23] =	ssyncadd.s32 $0xFFFFFFFF  }
0xa5: {  	s26 =	simm.s32 $execute0_lowered;
	[smem:$0x3FD2] =	sst s25  }
0xa6: {  	s4 =	sshll.u32 s26, $0x1;
	_ =	strace $0x8000004C;
	[dreg:$0x1] =	wrdreg $0xFFFFFFFF  }
0xa7: {  	s28 =	simm.s32 $_size_execute0_lowered;
	s2 =	sadd.s32 s2, s4;
	[dreg:$0x0] =	wrdreg $0x0  }
0xa8: {  	s4 =	sshll.u32 s28, $0x1;
	[dreg:$0x2] =	wrdreg s2  }
0xa9: {  	[dreg:$0x3] =	wrdreg s4  }
0xaa: {  	[dreg:$0x4] =	wrdreg $0xC0  }
0xab: {  	_ =	task [dreg:s6], $0x5FFFF  }
0xac: {  	[dreg:$0x1] =	wrdreg $0xFFFFFFFF  }
0xad: {  	[dreg:$0x0] =	wrdreg $0x60  }
0xae: {  	[dreg:$0x2] =	wrdreg s24  }
0xaf: {  	[dreg:$0x3] =	wrdreg $0x0  }
0xb0: {  	[dreg:$0x4] =	wrdreg $0x9  }
0xb1: {  	_ =	task.clear_ibuf [dreg:s6], $0x5FFFF;
	_ =	strace $0x9000004C  }
0xb2: {  	s29 =	simm.s32 $0x9;
	_ =	strace $0x8000004E  }
0xb3: {  	_ =	swait.ge [sflag:s29], $0x1  }
0xb4: {  	[sflag:s29] =	ssyncadd.s32 $0xFFFFFFFF  }
0xb5: {  	_ =	strace $0x9000004E  }
0xb6: {  	_ =	sfence  }
0xb7: {  	s30 =	sld [smem:$0x0];
	_ =	sdelay $0x2  }
0xb8: {  	s31 =	sshll.u32 s1, $0xD;
	s1 =	sshrl.u32 s1, $0x2  }
0xb9: {  	s3 =	sand.u32 $0x4000, s31;
	s1 =	sadd.s32 s1, s30  }
0xba: {  	s0 =	sor.u32 s3, s0;
	s1 =	sshll.u32 s1, $0x11  }
0xbb: {  	s0 =	sor.u32 s1, s0  }
0xbc: {  	s0 =	sadd.s32 $0x8F2B, s0  }
0xbd: {  	[sflag:s0] =	ssyncadd.remote.s32 $0x1  }
0xbe: {  	_ =	sfence.sel $0xFFFF  }
0xbf: {  	[dreg:$0x0] =	wrdreg $0xFFFFFFFF;
	(pc) =	sbr.abs _section_cstart, $3  }
0xc0: {  	[dreg:$0x1] =	wrdreg $0xFFFFFFFF  }
0xc1: {  	_ =	task.clear_ibuf [dreg:s6], $0x2FFFF;
	_ =	strace $0x9FFFFFFF  }
0xc2: {  	(tm) =	ssettm $0x7FFFFFFF  }
0xc3: {  	_ =	shalt  }
tec
execute0_lowered:
.L_overlay_start_1:
0x0: {  	(tag) =	ssettag $0x1  }
0x1: {  	s4 =	rddreg [dreg:$0x0]  }
0x2: {  	s2 =	rddreg [dreg:$0x1]  }
0x3: {  	s0 =	rddreg [dreg:$0x2]  }
0x4: {  	s3 =	simm.s32 $0x0;
	s1 =	stileid.u32;
	s5 =	srdreg.scid  }
0x5: {  	s18 =	simm.s32 $0x15400;
	s19 =	simm.s32 $0x19400;
	s6 =	smul.u32 $0x1400, s1  }
0x6: {  	s20 =	simm.s32 $0x1;
	[smem:$0x7FF] =	sst s3;
	s7 =	smul.u32 $0x50000, s1  }
0x7: {  	s13 =	sadd.s32 $0xB38400, s4;
	s5 =	sand.u32 $0x1, s5;
	s10 =	smul.u32 $0x14000, s1  }
0x8: {  	s8 =	sadd.s32 $0xA98400, s4;
	s11 =	sadd.s32 $0x2400, s4;
	s22 =	smul.u32 $0xA0000, s1  }
0x9: {  	s31 =	sshll.u32 s1, $0x6;
	_ =	strace $0x8000004D;
	s14 =	smul.u32 $0x280000, s5  }
0xa: {  	s9 =	ssub.s32 $0x2, s5;
	s21 =	smul.u32 $0x1400000, s5;
	s5 =	sshllo.u32 s5, $0x1  }
0xb: {  	s12 =	sshrl.u32 s9, $0x1;
	s6 =	sshrl.u32 s6, $0x3;
	s7 =	sshrl.u32 s7, $0x2  }
0xc: {  	s15 =	smul.u32 $0x140000, s5;
	s9 =	ssub.s32 s9, s12;
	s4 =	sadd.s32 s4, s6  }
0xd: {  	s14 =	sadd.s32 s10, s14;
	s17 =	sadd.s32 s7, s2;
	s12 =	sadd.s32 s22, s21  }
0xe: {  	s21 =	simm.s32 $0x80;
	s22 =	simm.s32 $0x2;
	s4 =	sadd.s32 $0x4F5C00, s4  }
0xf: {  	s23 =	sshrl.u32 s14, $0x3;
	s10 =	sadd.s32 s10, s15;
	s24 =	sor.u32 $0x4000, s12  }
0x10: {  	s9 =	smax.u32 s9, $0x1;
	s26 =	sadd.s32 $0xA04000, s12;
	s28 =	sshrl.u32 s12, $0x3  }
0x11: {  	s16 =	sadd.s32 $0xA00000, s12;
	s14 =	simm.s32 $0x14000;
	s15 =	simm.s32 $0x3  }
0x12: {  	s17 =	sshrl.u32 s17, $0x3;
	s5 =	sadd.s32 s8, s23;
	s6 =	sadd.s32 s11, s23  }
0x13: {  	s10 =	sshrl.u32 s10, $0x3;
	s25 =	sshrl.u32 s24, $0x3;
	s29 =	sshrl.u32 s26, $0x3  }
0x14: {  	s30 =	sshrl.u32 s16, $0x3;
	s16 =	sor.u32 $0x1C03, s31;
	s23 =	simm.s32 $0x0  }
0x15: {  	s7 =	sadd.s32 s8, s10;
	s8 =	sadd.s32 s11, s10;
	s10 =	sadd.s32 s25, s13  }
0x16: {  	s11 =	sadd.s32 s28, s13;
	s12 =	sadd.s32 s29, s13;
	s13 =	sadd.s32 s30, s13  }
.LBB2_1:
0x17: {  	[tilespmem:s14], [sflag:$0x3] =	stream.linear.gather [hbm4b:s4+s3], $0x1400, $0x38;
	[tilespmem:$0x1D400] =	vst v63  }
0x18: {  	_ =	swait.ge [sflag:s15], $0x1400  }
0x19: {  	[sflag:s15] =	ssyncset.done $0x0  }
0x1a: {  	[sflag:s15] =	ssyncadd.s32 $0xFFFFEC00  }
0x1b: {  	[spmem:s17], [sflag:s16] =	dma.local [hbm:s5], $0x2800  }
0x1c: {  	_ =	swait.ge [sflag:s15], $0x2800  }
0x1d: {  	[sflag:s15] =	ssyncset.done $0x0  }
0x1e: {  	[sflag:s15] =	ssyncadd.s32 $0xFFFFD800  }
0x1f: {  	s24 =	sadd.s32 $0x0, s11;
	[bflag:$0x0] =	sbarrier.arrive $0xFFFF  }
0x20: {  	[tilespmem:s18], [sflag:$0x1] =	stream.linear.gather [hbm4b:s24+s3], $0x4000, $0x38;
	[tilespmem:$0x1D400] =	vst v63  }
0x21: {  	s29 =	sadd.s32 $0x0, s10  }
0x22: {  	[tilespmem:s19], [sflag:$0x2] =	stream.linear.gather [hbm4b:s29+s3], $0x4000, $0x38;
	[tilespmem:$0x1D400] =	vst v63  }
0x23: {  	_ =	swait.ge [sflag:s20], $0x4000  }
0x24: {  	[sflag:s20] =	ssyncset.done $0x0  }
0x25: {  	s30 =	simm.s32 $0x14000;
	[sflag:s20] =	ssyncadd.s32 $0xFFFFC000  }
0x26: {  	[spmem:s2] =	stream.indirect.scatter.add.f32 [tilespmem:s18], [sflag:$0x3], $0x80, s30, s21, $0xb8;
	[tilespmem:$0x1D400] =	vst v63  }
0x27: {  	_ =	swait.ge [sflag:s15], $0x4000  }
0x28: {  	[sflag:s15] =	ssyncset.done $0x0  }
0x29: {  	[sflag:s15] =	ssyncadd.s32 $0xFFFFC000  }
0x2a: {  	_ =	swait.ge [sflag:s22], $0x4000  }
0x2b: {  	[sflag:s22] =	ssyncset.done $0x0  }
0x2c: {  	s31 =	simm.s32 $0x14080;
	[sflag:s22] =	ssyncadd.s32 $0xFFFFC000  }
0x2d: {  	[spmem:s2] =	stream.indirect.scatter.add.f32 [tilespmem:s19], [sflag:$0x3], $0x80, s31, s21, $0xb8;
	[tilespmem:$0x1D400] =	vst v63  }
0x2e: {  	s25 =	simm.s32 $0x1000;
	_ =	swait.ge [sflag:s15], $0x4000  }
0x2f: {  	s26 =	simm.s32 $0x2000;
	s24 =	simm.s32 $0x14180;
	[sflag:s15] =	ssyncset.done $0x0  }
.LBB2_2:
0x30: {  	s28 =	sadd.s32 s25, s11  }
0x31: {  	[sflag:s15] =	ssyncadd.s32 $0xFFFFC000;
	s29 =	smov.u32 s26;
	s30 =	sadd.s32 $0x1000, s26  }
0x32: {  	[tilespmem:s18], [sflag:$0x1] =	stream.linear.gather [hbm4b:s28+s3], $0x4000, $0x38;
	[tilespmem:$0x1D400] =	vst v63  }
0x33: {  	p0 =	sne.s32 s26, $0x13000;
	s26 =	sadd.s32 s25, s10;
	s25 =	smov.u32 s29  }
0x34: {  	[tilespmem:s19], [sflag:$0x2] =	stream.linear.gather [hbm4b:s26+s3], $0x4000, $0x38;
	[tilespmem:$0x1D400] =	vst v63  }
0x35: {  	_ =	swait.ge [sflag:s20], $0x4000  }
0x36: {  	[sflag:s20] =	ssyncset.done $0x0  }
0x37: {  	s26 =	sadd.s32 $0xFFFFFF80, s24;
	[sflag:s20] =	ssyncadd.s32 $0xFFFFC000  }
0x38: {  	[spmem:s2] =	stream.indirect.scatter.add.f32 [tilespmem:s18], [sflag:$0x3], $0x80, s26, s21, $0xb8;
	[tilespmem:$0x1D400] =	vst v63  }
0x39: {  	_ =	swait.ge [sflag:s15], $0x4000  }
0x3a: {  	[sflag:s15] =	ssyncset.done $0x0  }
0x3b: {  	[sflag:s15] =	ssyncadd.s32 $0xFFFFC000  }
0x3c: {  	_ =	swait.ge [sflag:s22], $0x4000  }
.Ltmp0:
0x3d: {  	[sflag:s22] =	ssyncset.done $0x0;
	(pc) =	sbr.rel @p0 .LBB2_2-.Ltmp0, $4  }
0x3e: {  	[sflag:s22] =	ssyncadd.s32 $0xFFFFC000  }
0x3f: {  	[spmem:s2] =	stream.indirect.scatter.add.f32 [tilespmem:s19], [sflag:$0x3], $0x80, s24, s21, $0xb8;
	[tilespmem:$0x1D400] =	vst v63  }
0x40: {  	_ =	swait.ge [sflag:s15], $0x4000  }
0x41: {  	s26 =	smov.u32 s30;
	s24 =	sadd.s32 $0x100, s24;
	[sflag:s15] =	ssyncset.done $0x0  }
0x42: {  	s26 =	sadd.s32 s25, s11;
	[sflag:s15] =	ssyncadd.s32 $0xFFFFC000  }
0x43: {  	[tilespmem:s18], [sflag:$0x1] =	stream.linear.gather [hbm4b:s26+s3], $0x4000, $0x38;
	[tilespmem:$0x1D400] =	vst v63  }
0x44: {  	s31 =	sadd.s32 s25, s10  }
0x45: {  	[tilespmem:s19], [sflag:$0x2] =	stream.linear.gather [hbm4b:s31+s3], $0x4000, $0x38;
	[tilespmem:$0x1D400] =	vst v63  }
0x46: {  	_ =	swait.ge [sflag:s20], $0x4000  }
0x47: {  	[sflag:s20] =	ssyncset.done $0x0  }
0x48: {  	s26 =	sadd.s32 $0xFFFFFF80, s24;
	[sflag:s20] =	ssyncadd.s32 $0xFFFFC000  }
0x49: {  	[spmem:s2] =	stream.indirect.scatter.add.f32 [tilespmem:s18], [sflag:$0x3], $0x80, s26, s21, $0xb8;
	[tilespmem:$0x1D400] =	vst v63  }
0x4a: {  	_ =	swait.ge [sflag:s15], $0x4000  }
0x4b: {  	[sflag:s15] =	ssyncset.done $0x0  }
0x4c: {  	[sflag:s15] =	ssyncadd.s32 $0xFFFFC000  }
0x4d: {  	_ =	swait.ge [sflag:s22], $0x4000  }
0x4e: {  	[sflag:s22] =	ssyncset.done $0x0  }
0x4f: {  	[sflag:s22] =	ssyncadd.s32 $0xFFFFC000  }
0x50: {  	[spmem:s2] =	stream.indirect.scatter.add.f32 [tilespmem:s19], [sflag:$0x3], $0x80, s24, s21, $0xb8;
	[tilespmem:$0x1D400] =	vst v63  }
0x51: {  	_ =	swait.ge [sflag:s15], $0x4000  }
0x52: {  	[sflag:s15] =	ssyncset.done $0x0  }
0x53: {  	[sflag:s15] =	ssyncadd.s32 $0xFFFFC000  }
0x54: {  	[bflag:$0x0] =	sbarrier.arrive $0xFFFF  }
0x55: {  	[hbm:s6], [sflag:s16] =	dma.local [spmem:s17], $0x2800  }
0x56: {  	_ =	swait.ge [sflag:s15], $0x2800  }
0x57: {  	[sflag:s15] =	ssyncset.done $0x0  }
0x58: {  	[sflag:s15] =	ssyncadd.s32 $0xFFFFD800  }
0x59: {  	[bflag:$0x0] =	sbarrier.arrive $0xFFFF  }
0x5a: {  	[spmem:s17], [sflag:s16] =	dma.local [hbm:s7], $0x2800  }
0x5b: {  	_ =	swait.ge [sflag:s15], $0x2800  }
0x5c: {  	[sflag:s15] =	ssyncset.done $0x0  }
0x5d: {  	[sflag:s15] =	ssyncadd.s32 $0xFFFFD800  }
0x5e: {  	s28 =	sadd.s32 $0x0, s13;
	[bflag:$0x0] =	sbarrier.arrive $0xFFFF  }
0x5f: {  	[tilespmem:s18], [sflag:$0x1] =	stream.linear.gather [hbm4b:s28+s3], $0x4000, $0x38;
	[tilespmem:$0x1D400] =	vst v63  }
0x60: {  	s29 =	sadd.s32 $0x0, s12  }
0x61: {  	[tilespmem:s19], [sflag:$0x2] =	stream.linear.gather [hbm4b:s29+s3], $0x4000, $0x38;
	[tilespmem:$0x1D400] =	vst v63  }
0x62: {  	_ =	swait.ge [sflag:s20], $0x4000  }
0x63: {  	[sflag:s20] =	ssyncset.done $0x0  }
0x64: {  	s30 =	simm.s32 $0x14000;
	[sflag:s20] =	ssyncadd.s32 $0xFFFFC000  }
0x65: {  	[spmem:s2] =	stream.indirect.scatter.add.f32 [tilespmem:s18], [sflag:$0x3], $0x80, s30, s21, $0xb8;
	[tilespmem:$0x1D400] =	vst v63  }
0x66: {  	_ =	swait.ge [sflag:s15], $0x4000  }
0x67: {  	[sflag:s15] =	ssyncset.done $0x0  }
0x68: {  	[sflag:s15] =	ssyncadd.s32 $0xFFFFC000  }
0x69: {  	_ =	swait.ge [sflag:s22], $0x4000  }
0x6a: {  	[sflag:s22] =	ssyncset.done $0x0  }
0x6b: {  	s31 =	simm.s32 $0x14080;
	[sflag:s22] =	ssyncadd.s32 $0xFFFFC000  }
0x6c: {  	[spmem:s2] =	stream.indirect.scatter.add.f32 [tilespmem:s19], [sflag:$0x3], $0x80, s31, s21, $0xb8;
	[tilespmem:$0x1D400] =	vst v63  }
0x6d: {  	s25 =	simm.s32 $0x1000;
	_ =	swait.ge [sflag:s15], $0x4000  }
0x6e: {  	s26 =	simm.s32 $0x2000;
	s24 =	simm.s32 $0x14180;
	[sflag:s15] =	ssyncset.done $0x0  }
.LBB2_4:
0x6f: {  	s28 =	sadd.s32 s25, s13  }
0x70: {  	[sflag:s15] =	ssyncadd.s32 $0xFFFFC000;
	s29 =	smov.u32 s26;
	s30 =	sadd.s32 $0x1000, s26  }
0x71: {  	[tilespmem:s18], [sflag:$0x1] =	stream.linear.gather [hbm4b:s28+s3], $0x4000, $0x38;
	[tilespmem:$0x1D400] =	vst v63  }
0x72: {  	p0 =	sne.s32 s26, $0x13000;
	s26 =	sadd.s32 s25, s12;
	s25 =	smov.u32 s29  }
0x73: {  	[tilespmem:s19], [sflag:$0x2] =	stream.linear.gather [hbm4b:s26+s3], $0x4000, $0x38;
	[tilespmem:$0x1D400] =	vst v63  }
0x74: {  	_ =	swait.ge [sflag:s20], $0x4000  }
0x75: {  	[sflag:s20] =	ssyncset.done $0x0  }
0x76: {  	s26 =	sadd.s32 $0xFFFFFF80, s24;
	[sflag:s20] =	ssyncadd.s32 $0xFFFFC000  }
0x77: {  	[spmem:s2] =	stream.indirect.scatter.add.f32 [tilespmem:s18], [sflag:$0x3], $0x80, s26, s21, $0xb8;
	[tilespmem:$0x1D400] =	vst v63  }
0x78: {  	_ =	swait.ge [sflag:s15], $0x4000  }
0x79: {  	[sflag:s15] =	ssyncset.done $0x0  }
0x7a: {  	[sflag:s15] =	ssyncadd.s32 $0xFFFFC000  }
0x7b: {  	_ =	swait.ge [sflag:s22], $0x4000  }
.Ltmp1:
0x7c: {  	[sflag:s22] =	ssyncset.done $0x0;
	(pc) =	sbr.rel @p0 .LBB2_4-.Ltmp1, $4  }
0x7d: {  	[sflag:s22] =	ssyncadd.s32 $0xFFFFC000  }
0x7e: {  	[spmem:s2] =	stream.indirect.scatter.add.f32 [tilespmem:s19], [sflag:$0x3], $0x80, s24, s21, $0xb8;
	[tilespmem:$0x1D400] =	vst v63  }
0x7f: {  	_ =	swait.ge [sflag:s15], $0x4000  }
0x80: {  	s26 =	smov.u32 s30;
	s24 =	sadd.s32 $0x100, s24;
	[sflag:s15] =	ssyncset.done $0x0  }
0x81: {  	s26 =	sadd.s32 s25, s13;
	[sflag:s15] =	ssyncadd.s32 $0xFFFFC000  }
0x82: {  	[tilespmem:s18], [sflag:$0x1] =	stream.linear.gather [hbm4b:s26+s3], $0x4000, $0x38;
	[tilespmem:$0x1D400] =	vst v63  }
0x83: {  	s30 =	sadd.s32 s25, s12  }
0x84: {  	[tilespmem:s19], [sflag:$0x2] =	stream.linear.gather [hbm4b:s30+s3], $0x4000, $0x38;
	[tilespmem:$0x1D400] =	vst v63  }
0x85: {  	_ =	swait.ge [sflag:s20], $0x4000  }
0x86: {  	[sflag:s20] =	ssyncset.done $0x0  }
0x87: {  	s31 =	sadd.s32 $0xFFFFFF80, s24;
	[sflag:s20] =	ssyncadd.s32 $0xFFFFC000  }
0x88: {  	[spmem:s2] =	stream.indirect.scatter.add.f32 [tilespmem:s18], [sflag:$0x3], $0x80, s31, s21, $0xb8;
	[tilespmem:$0x1D400] =	vst v63  }
0x89: {  	_ =	swait.ge [sflag:s15], $0x4000  }
0x8a: {  	[sflag:s15] =	ssyncset.done $0x0  }
0x8b: {  	[sflag:s15] =	ssyncadd.s32 $0xFFFFC000  }
0x8c: {  	_ =	swait.ge [sflag:s22], $0x4000  }
0x8d: {  	[sflag:s22] =	ssyncset.done $0x0  }
0x8e: {  	[sflag:s22] =	ssyncadd.s32 $0xFFFFC000  }
0x8f: {  	[spmem:s2] =	stream.indirect.scatter.add.f32 [tilespmem:s19], [sflag:$0x3], $0x80, s24, s21, $0xb8;
	[tilespmem:$0x1D400] =	vst v63  }
0x90: {  	_ =	swait.ge [sflag:s15], $0x4000  }
0x91: {  	[sflag:s15] =	ssyncset.done $0x0  }
0x92: {  	s23 =	sadd.s32 $0x1, s23;
	[sflag:s15] =	ssyncadd.s32 $0xFFFFC000  }
0x93: {  	p0 =	sne.s32 s23, s9;
	[bflag:$0x0] =	sbarrier.arrive $0xFFFF  }
0x94: {  	[hbm:s8], [sflag:s16] =	dma.local [spmem:s17], $0x2800  }
.Ltmp2:
0x95: {  	_ =	swait.ge [sflag:s15], $0x2800;
	(pc) =	sbr.rel @p0 .LBB2_1-.Ltmp2, $3  }
0x96: {  	[sflag:s15] =	ssyncset.done $0x0  }
0x97: {  	[sflag:s15] =	ssyncadd.s32 $0xFFFFD800  }
0x98: {  	[bflag:$0x0] =	sbarrier.arrive $0xFFFF;
	_ =	sdelay $0x1  }
0x99: {  	_ =	sfence.sel $0x180000  }
0x9a: {  	[bflag:$0x0] =	sbarrier.arrive $0xFFFF  }
0x9b: {  	p0 =	sne.s32 s1, $0x0;
	_ =	strace $0x9000004D  }
0x9c: {  	s0 =	sadd.s32 @!p0 $0x100000, s0;
	[bflag:$0x2] =	sbarrier.arrive $0xFFFF  }
0x9d: {  	[sflag:s0] =	ssyncadd.tile.s32 @!p0 $0x1;
	_ =	shalt  }
.Lfunc_end2:
_tile_overlayer_lowered:
.L_overlay_start_2:
0x9e: {  	(tag) =	ssettag $0x2  }
0x9f: {  	s0 =	rddreg [dreg:$0x0];
	s2 =	stileid.u32  }
0xa0: {  	s1 =	rddreg [dreg:$0x1];
	p0 =	sne.s32 s2, $0x0  }
0xa1: {  	s3 =	rddreg [dreg:$0x2];
	[bflag:$0x3] =	sbarrier.arrive $0xFFFF;
	s2 =	simm.s32 @!p0 $0x1C03  }
0xa2: {  	[timem:s3], [sflag:s2] =	dma.local @!p0 [hbm:s0], s1  }
0xa3: {  	s0 =	simm.s32 @!p0 $0x3  }
0xa4: {  	_ =	swait.ge @!p0 [sflag:s0], s1  }
0xa5: {  	s1 =	ssub.s32 @!p0 $0x0, s1;
	[sflag:s0] =	ssyncset.done @!p0 $0x0  }
0xa6: {  	[sflag:s0] =	ssyncadd.s32 @!p0 s1  }
0xa7: {  	[bflag:$0x3] =	sbarrier.arrive $0xFFFF  }
0xa8: {  	_ =	shalt  }

// kernel: kernel.8.cloned.1.call-start
scs
__scs_entry_jumppad:
0x0: {  	(pc) =	sbr.rel $0x88, $3  }
0x1: {  	(tag) =	ssettag $0x0;
	lr =	simm.s32 $0x1  }
0x2: {  	[smem:$0x3F99] =	sst lr;
	_ =	strace $0xD0000000  }
0x3: {  	_ = 	snop  }
0x4: {  	_ = 	snop  }
0x5: {  	_ = 	snop  }
0x6: {  	_ = 	snop  }
0x7: {  	_ = 	snop  }
__scs_overlays_trampoline_lowered:
0x8: {  	[smem:$0x3FA8] =	sst s0  }
0x9: {  	[smem:$0x3FA9] =	sst s1  }
0xa: {  	[smem:$0x3FAA] =	sst s2  }
0xb: {  	[smem:$0x3FAB] =	sst s3  }
0xc: {  	[smem:$0x3FAC] =	sst s4  }
0xd: {  	[smem:$0x3FAD] =	sst s5  }
0xe: {  	[smem:$0x3FAE] =	sst s6  }
0xf: {  	[smem:$0x3FAF] =	sst s7  }
0x10: {  	[smem:$0x3FB0] =	sst s8  }
0x11: {  	[smem:$0x3FB1] =	sst s9;
	s0 =	simm.s32 @!p0 $0x0  }
0x12: {  	s1 =	sld [smem:$0x3F97];
	s0 =	simm.s32 @p0 $0x1  }
0x13: {  	[smem:$0x3FB2] =	sst s0;
	s0 =	simm.s32 @!p1 $0x0  }
0x14: {  	s2 =	sld [smem:$0x3F96];
	s0 =	simm.s32 @p1 $0x1  }
0x15: {  	[smem:$0x3FB3] =	sst s0;
	s0 =	simm.s32 @!p2 $0x0  }
0x16: {  	s3 =	sld [smem:$0x3FDB];
	s0 =	simm.s32 @p2 $0x1  }
0x17: {  	s4 =	simm.s32 $0x1BF5;
	[smem:$0x3FB5] =	sst s0  }
0x18: {  	s0 =	sld [smem:$0x3F98];
	_ =	swait.ge [sflag:s4], $0x0  }
0x19: {  	s7 =	sld [smem:$0x3F99]  }
0x1a: {  	s8 =	sadd.s32 $0xFFFFE003, lr  }
0x1b: {  	s9 =	sadd.s32 $0xFFFFFEF7, lr;
	s5 =	simm.s32 $0xFFFFFFFF;
	p2 =	slt.u32 s8, $0xFFFFF086  }
0x1c: {  	p1 =	slt.u32 s9, $0xF7A;
	s5 =	simm.s32 @!p2 $0x0  }
0x1d: {  	s5 =	simm.s32 @p1 $0x1;
	p0 =	seq.s32 s7, s2  }
0x1e: {  	s7 =	smul.u32 @!p0 $0xF7A, s2;
	p2 =	seq.s32 @!p0 s5, $0x0  }
0x1f: {  	s9 =	smul.u32 $0xF7A, s1;
	s8 =	simm.s32 @!p0 $0x1BF5;
	p2 =	por !p2, p0  }
0x20: {  	[sflag:s8] =	ssyncset.s32 @!p0 $0xFFFFF086;
	s6 =	sadd.s32 @!p0 s3, s7;
	s7 =	simm.s32 @!p0 $0x108  }
0x21: {  	s3 =	sadd.s32 s3, s9;
	s6 =	sadd.s32 @!p0 $0x88, s6;
	s7 =	simm.s32 @p2 $0x1082  }
0x22: {  	[simem:s7], [sflag:s8] =	dma.local @!p0 [hbm:s6], $0xF7A  }
0x23: {  	s9 =	sor.u32 $0xD0000000, s2;
	s6 =	simm.s32 $0x108;
	_ =	swait.ge @!p0 [sflag:s8], $0x0  }
0x24: {  	s3 =	sadd.s32 $0x88, s3;
	s6 =	simm.s32 @!p1 $0x1082;
	[sflag:s4] =	ssyncset.s32 $0xFFFFF086  }
0x25: {  	[simem:s6], [sflag:s4] =	dma.local [hbm:s3], $0xF7A  }
0x26: {  	[smem:$0x3F99] =	sst s1;
	(tag) =	ssettag s2;
	_ =	strace s9  }
0x27: {  	s1 =	sld [smem:$0x3FA9]  }
0x28: {  	s2 =	sld [smem:$0x3FAA]  }
0x29: {  	s4 =	sld [smem:$0x3FAC]  }
0x2a: {  	p0 =	seq.s32 s5, $0x0;
	s5 =	sld [smem:$0x3FAD]  }
0x2b: {  	s6 =	sld [smem:$0x3FAE]  }
0x2c: {  	s7 =	sld [smem:$0x3FAF]  }
0x2d: {  	s3 =	simm.s32 $0x108;
	s8 =	sld [smem:$0x3FB0]  }
0x2e: {  	s3 =	simm.s32 @!p0 $0x1082;
	s9 =	sld [smem:$0x3FB1]  }
0x2f: {  	lr =	sadd.s32 s0, s3;
	s0 =	sld [smem:$0x3FA8]  }
0x30: {  	s3 =	sld [smem:$0x3FAB]  }
0x31: {  	[smem:$0x3FB4] =	sst s10  }
0x32: {  	s10 =	sld [smem:$0x3FB2];
	_ =	sdelay $0x3  }
0x33: {  	p0 =	seq.s32 s10, $0x1;
	s10 =	sld [smem:$0x3FB4];
	_ =	sdelay $0x3  }
0x34: {  	[smem:$0x3FB4] =	sst s10  }
0x35: {  	s10 =	sld [smem:$0x3FB3];
	_ =	sdelay $0x3  }
0x36: {  	p1 =	seq.s32 s10, $0x1;
	s10 =	sld [smem:$0x3FB4];
	_ =	sdelay $0x3  }
0x37: {  	[smem:$0x3FB4] =	sst s10  }
0x38: {  	s10 =	sld [smem:$0x3FB5]  }
0x39: {  	_ = 	snop;
	(pc) =	sbr.ind lr, $3  }
0x3a: {  	_ = 	snop  }
0x3b: {  	_ = 	snop  }
0x3c: {  	p2 =	seq.s32 s10, $0x1;
	s10 =	sld [smem:$0x3FB4]  }
0x3d: {  	_ =	shalt  }
0x3e: {  	_ =	shalt  }
0x3f: {  	_ =	shalt  }
0x40: {  	_ =	shalt  }
0x41: {  	_ =	shalt  }
0x42: {  	_ =	shalt  }
0x43: {  	_ =	shalt  }
0x44: {  	_ =	shalt  }
0x45: {  	_ =	shalt  }
0x46: {  	_ =	shalt  }
0x47: {  	_ =	shalt  }
0x48: {  	_ =	shalt  }
0x49: {  	_ =	shalt  }
0x4a: {  	_ =	shalt  }
0x4b: {  	_ =	shalt  }
0x4c: {  	_ =	shalt  }
0x4d: {  	_ =	shalt  }
0x4e: {  	_ =	shalt  }
0x4f: {  	_ =	shalt  }
0x50: {  	_ =	shalt  }
0x51: {  	_ =	shalt  }
0x52: {  	_ =	shalt  }
0x53: {  	_ =	shalt  }
0x54: {  	_ =	shalt  }
0x55: {  	_ =	shalt  }
0x56: {  	_ =	shalt  }
0x57: {  	_ =	shalt  }
0x58: {  	_ =	shalt  }
0x59: {  	_ =	shalt  }
0x5a: {  	_ =	shalt  }
0x5b: {  	_ =	shalt  }
0x5c: {  	_ =	shalt  }
0x5d: {  	_ =	shalt  }
0x5e: {  	_ =	shalt  }
0x5f: {  	_ =	shalt  }
0x60: {  	_ =	shalt  }
0x61: {  	_ =	shalt  }
0x62: {  	_ =	shalt  }
0x63: {  	_ =	shalt  }
0x64: {  	_ =	shalt  }
0x65: {  	_ =	shalt  }
0x66: {  	_ =	shalt  }
0x67: {  	_ =	shalt  }
0x68: {  	_ =	shalt  }
0x69: {  	_ =	shalt  }
0x6a: {  	_ =	shalt  }
0x6b: {  	_ =	shalt  }
0x6c: {  	_ =	shalt  }
0x6d: {  	_ =	shalt  }
0x6e: {  	_ =	shalt  }
0x6f: {  	_ =	shalt  }
0x70: {  	_ =	shalt  }
0x71: {  	_ =	shalt  }
0x72: {  	_ =	shalt  }
0x73: {  	_ =	shalt  }
0x74: {  	_ =	shalt  }
0x75: {  	_ =	shalt  }
0x76: {  	_ =	shalt  }
0x77: {  	_ =	shalt  }
0x78: {  	_ =	shalt  }
0x79: {  	_ =	shalt  }
0x7a: {  	_ =	shalt  }
0x7b: {  	_ =	shalt  }
0x7c: {  	_ =	shalt  }
0x7d: {  	_ =	shalt  }
0x7e: {  	_ =	shalt  }
0x7f: {  	_ =	shalt  }
0x80: {  	_ =	shalt  }
0x81: {  	_ =	shalt  }
0x82: {  	_ =	shalt  }
0x83: {  	_ =	shalt  }
0x84: {  	_ =	shalt  }
0x85: {  	_ =	shalt  }
0x86: {  	_ =	shalt  }
0x87: {  	_ =	shalt  }
.Lfunc_end0:
.L_simem_size_0:
called_computation_lowered:
.L_overlay_start_0:
0x88: {  	s2 =	sld [smem:$0x3FD9]  }
0x89: {  	s3 =	sld [smem:$0x3FFE];
	_ =	sdelay $0x1  }
0x8a: {  	s1 =	srdreg.scid  }
0x8b: {  	s0 =	sand.u32 $0x1, s1  }
0x8c: {  	s17 =	sshll.u32 s0, $0xA;
	s2 =	sadd.s32 s3, s2  }
0x8d: {  	s2 =	sadd.s32 s2, s17  }
0x8e: {  	[smem:$0x3FC0] =	sst s2  }
0x8f: {  	_ = 	snop  }
0x90: {  	s2 =	sld [smem:$0x3FC9]  }
0x91: {  	s18 =	sld [smem:$0x3FD0];
	(tm) =	ssettm $0x1  }
0x92: {  	s4 =	sld [smem:$0x3FFB];
	_ =	sdelay $0x3  }
0x93: {  	_ =	strace s4  }
0x94: {  	s4 =	sld [smem:$0x3FFC];
	_ =	sdelay $0x3  }
0x95: {  	_ =	strace s4  }
0x96: {  	s4 =	sld [smem:$0x3FFD];
	_ =	sdelay $0x3  }
0x97: {  	_ =	strace s4  }
0x98: {  	_ =	strace $0x8FFFFFFF  }
0x99: {  	s19 =	sld [smem:$0x3FDB];
	_ =	sdelay $0x1  }
0x9a: {  	s5 =	simm.s32 $_scs_section_size  }
0x9b: {  	s6 =	simm.s32 $_size__tile_overlayer_lowered;
	s7 =	simm.s32 $_tile_overlayer_lowered  }
0x9c: {  	s22 =	simm.s32 $0x1BFF;
	s21 =	sshll.u32 s7, $0x1;
	s4 =	sadd.s32 s5, s19  }
0x9d: {  	s8 =	simm.s32 $0x0;
	s20 =	sshll.u32 s6, $0x1;
	s6 =	sadd.s32 s21, s4  }
0x9e: {  	[timem:s8], [sflag:s22] =	dma.local [hbm:s6], s20  }
0x9f: {  	_ =	swait.ge [sflag:s22], s20  }
0xa0: {  	s5 =	ssub.s32 $0x0, s20;
	[sflag:s22] =	ssyncset.done $0x0  }
0xa1: {  	[sflag:s22] =	ssyncadd.s32 s5;
	_ =	sdelay $0x1  }
0xa2: {  	s23 =	simm.s32 $0x1B8B  }
0xa3: {  	_ =	swait.ge [sflag:s23], $0x1  }
0xa4: {  	[sflag:s23] =	ssyncset.done $0x0  }
0xa5: {  	s25 =	simm.s32 $0x1B8E;
	s24 =	sld [smem:$0x3FFE];
	[sflag:s23] =	ssyncadd.s32 $0xFFFFFFFF  }
0xa6: {  	s26 =	simm.s32 $execute0_lowered;
	[smem:$0x3FD2] =	sst s25  }
0xa7: {  	s6 =	sshll.u32 s26, $0x1;
	_ =	strace $0x80000046;
	[dreg:$0x1] =	wrdreg $0xFFFFFFFF  }
0xa8: {  	s28 =	simm.s32 $_size_execute0_lowered;
	s4 =	sadd.s32 s4, s6;
	[dreg:$0x0] =	wrdreg $0x0  }
0xa9: {  	s6 =	sshll.u32 s28, $0x1;
	[dreg:$0x2] =	wrdreg s4  }
0xaa: {  	[dreg:$0x3] =	wrdreg s6  }
0xab: {  	[dreg:$0x4] =	wrdreg $0xC0  }
0xac: {  	_ =	task [dreg:s8], $0x5FFFF  }
0xad: {  	[dreg:$0x1] =	wrdreg $0xFFFFFFFF  }
0xae: {  	[dreg:$0x0] =	wrdreg $0x60  }
0xaf: {  	[dreg:$0x2] =	wrdreg s2  }
0xb0: {  	[dreg:$0x3] =	wrdreg s18  }
0xb1: {  	[dreg:$0x4] =	wrdreg s24  }
0xb2: {  	[dreg:$0x5] =	wrdreg $0x0  }
0xb3: {  	[dreg:$0x6] =	wrdreg $0x9  }
0xb4: {  	_ =	task.clear_ibuf [dreg:s8], $0x7FFFF;
	_ =	strace $0x90000046  }
0xb5: {  	s29 =	simm.s32 $0x9;
	_ =	strace $0x80000048  }
0xb6: {  	_ =	swait.ge [sflag:s29], $0x1  }
0xb7: {  	[sflag:s29] =	ssyncadd.s32 $0xFFFFFFFF  }
0xb8: {  	_ =	strace $0x90000048  }
0xb9: {  	_ =	sfence  }
0xba: {  	s30 =	sld [smem:$0x0];
	_ =	sdelay $0x2  }
0xbb: {  	s31 =	sshll.u32 s1, $0xD;
	s1 =	sshrl.u32 s1, $0x2  }
0xbc: {  	s3 =	sand.u32 $0x4000, s31;
	s1 =	sadd.s32 s1, s30  }
0xbd: {  	s0 =	sor.u32 s3, s0;
	s1 =	sshll.u32 s1, $0x11  }
0xbe: {  	s0 =	sor.u32 s1, s0  }
0xbf: {  	s0 =	sadd.s32 $0x8F2B, s0  }
0xc0: {  	[sflag:s0] =	ssyncadd.remote.s32 $0x1  }
0xc1: {  	_ =	sfence.sel $0xFFFF  }
0xc2: {  	[dreg:$0x0] =	wrdreg $0xFFFFFFFF;
	(pc) =	sbr.abs _section_cstart, $3  }
0xc3: {  	[dreg:$0x1] =	wrdreg $0xFFFFFFFF  }
0xc4: {  	_ =	task.clear_ibuf [dreg:s8], $0x2FFFF;
	_ =	strace $0x9FFFFFFF  }
0xc5: {  	(tm) =	ssettm $0x7FFFFFFF  }
tec
execute0_lowered:
.L_overlay_start_1:
0x0: {  	(tag) =	ssettag $0x1  }
0x1: {  	s5 =	rddreg [dreg:$0x0]  }
0x2: {  	s6 =	rddreg [dreg:$0x1]  }
0x3: {  	s3 =	rddreg [dreg:$0x2];
	s0 =	srdreg.scid  }
0x4: {  	s1 =	rddreg [dreg:$0x3];
	s2 =	simm.s32 $0x0;
	s13 =	simm.s32 $0x5  }
0x5: {  	s14 =	simm.s32 $0x80;
	s15 =	simm.s32 $0x14C80;
	s16 =	simm.s32 $0x18C80  }
0x6: {  	s17 =	simm.s32 $0x1;
	s18 =	simm.s32 $0x2;
	s4 =	sand.u32 $0x1, s0  }
0x7: {  	s19 =	simm.s32 $0x3;
	s0 =	rddreg [dreg:$0x4];
	s7 =	smul.u32 $0x140000, s4  }
0x8: {  	s20 =	simm.s32 $0x4;
	s21 =	simm.s32 $0x0;
	[smem:$0x7FF] =	sst s2  }
0x9: {  	s29 =	ssub.s32 $0x2, s4;
	s8 =	sadd.s32 s7, s3;
	s3 =	stileid.u32  }
0xa: {  	_ =	strace $0x80000047;
	s10 =	sshrl.u32 s29, $0x1;
	s9 =	smul.u32 $0x50000, s3  }
0xb: {  	s4 =	sshll.u32 s4, $0x4;
	s7 =	ssub.s32 s29, s10;
	s11 =	smul.u32 $0x2800, s3  }
0xc: {  	s4 =	sor.u32 s3, s4;
	s31 =	smul.u32 $0x14000, s3;
	p0 =	seq.s32 s3, $0xF  }
0xd: {  	s7 =	smax.u32 s7, $0x1;
	s30 =	smul.u32 $0x280, s4;
	s10 =	sshll.u32 @!p0 s3, $0x6  }
0xe: {  	s9 =	sshrl.u32 s9, $0x2;
	s4 =	sadd.s32 s5, s11;
	s11 =	sadd.s32 $0x12C000, s1  }
0xf: {  	s5 =	sadd.s32 $0x25800, s5;
	s8 =	sadd.s32 s31, s8;
	s10 =	sor.u32 @!p0 $0x1C05, s10  }
0x10: {  	s12 =	sadd.s32 s9, s1;
	s6 =	sadd.s32 s6, s30;
	s8 =	sadd.s32 $0x2C00, s8  }
0x11: {  	s9 =	sshrl.u32 @p0 s11, $0x3;
	s11 =	sshrl.u32 @!p0 s12, $0x3;
	s12 =	simm.s32 $0x13880  }
.LBB2_1:
0x12: {  	s22 =	simm.s32 @p0 $0x1FC5  }
0x13: {  	[spmem:s9], [sflag:s22] =	dma.local @p0 [hbm:s5], $0x1900  }
0x14: {  	s22 =	simm.s32 @p0 $0x5  }
0x15: {  	_ =	swait.ge @p0 [sflag:s22], $0x1900  }
0x16: {  	[sflag:s22] =	ssyncset.done @p0 $0x0  }
0x17: {  	[sflag:s22] =	ssyncadd.s32 @p0 $0xFFFFE700;
	s22 =	simm.s32 @!p0 $0x5  }
0x18: {  	[spmem:s11], [sflag:s10] =	dma.local @!p0 [hbm:s4], $0x2800  }
0x19: {  	_ =	swait.ge @!p0 [sflag:s22], $0x2800  }
0x1a: {  	[sflag:s22] =	ssyncset.done @!p0 $0x0  }
0x1b: {  	[sflag:s22] =	ssyncadd.s32 @!p0 $0xFFFFD800  }
0x1c: {  	[tilespmem:s12], [sflag:$0x5] =	stream.linear.gather [hbm4b:s6+s2], $0x1400, $0x38;
	[tilespmem:$0x1CC80] =	vst v63  }
0x1d: {  	_ =	swait.ge [sflag:s13], $0x1400  }
0x1e: {  	[sflag:s13] =	ssyncset.done $0x0  }
0x1f: {  	[sflag:s13] =	ssyncadd.s32 $0xFFFFEC00  }
0x20: {  	s29 =	simm.s32 $0x13880;
	[bflag:$0x0] =	sbarrier.arrive $0xFFFF  }
0x21: {  	[tilespmem:s15], [sflag:$0x1] =	stream.indirect.gather [spmem:s1], $0x80, s29, s14, $0xb8;
	[tilespmem:$0x1CC80] =	vst v63  }
0x22: {  	s30 =	simm.s32 $0x13900  }
0x23: {  	[tilespmem:s16], [sflag:$0x2] =	stream.indirect.gather [spmem:s1], $0x80, s30, s14, $0xb8;
	[tilespmem:$0x1CC80] =	vst v63  }
0x24: {  	_ =	swait.ge [sflag:s17], $0x4000  }
0x25: {  	[sflag:s17] =	ssyncset.done $0x0  }
0x26: {  	s31 =	sadd.s32 $0xFFFFF800, s8;
	[sflag:s17] =	ssyncadd.s32 $0xFFFFC000  }
0x27: {  	[hbm4b:s31+s2] =	stream.linear.scatter [tilespmem:s15], [sflag:$0x3], $0x4000, $0x38;
	[tilespmem:$0x1CC80] =	vst v63  }
0x28: {  	_ =	swait.ge [sflag:s18], $0x4000  }
0x29: {  	[sflag:s18] =	ssyncset.done $0x0  }
0x2a: {  	[sflag:s18] =	ssyncadd.s32 $0xFFFFC000  }
0x2b: {  	[hbm4b:s8+s2] =	stream.linear.scatter [tilespmem:s16], [sflag:$0x4], $0x4000, $0x38;
	[tilespmem:$0x1CC80] =	vst v63  }
0x2c: {  	_ =	swait.ge [sflag:s19], $0x4000  }
0x2d: {  	[sflag:s19] =	ssyncset.done $0x0  }
0x2e: {  	[sflag:s19] =	ssyncadd.s32 $0xFFFFC000  }
0x2f: {  	s24 =	simm.s32 $0x800;
	_ =	swait.ge [sflag:s20], $0x4000  }
0x30: {  	s23 =	simm.s32 $0x100;
	s22 =	sadd.s32 $0x1000, s8;
	[sflag:s20] =	ssyncset.done $0x0  }
.LBB2_2:
0x31: {  	s25 =	sadd.s32 $0x13880, s23  }
0x32: {  	[sflag:s20] =	ssyncadd.s32 $0xFFFFC000;
	s26 =	smov.u32 s24;
	s28 =	sadd.s32 $0x400, s24  }
0x33: {  	[tilespmem:s15], [sflag:$0x1] =	stream.indirect.gather [spmem:s1], $0x80, s25, s14, $0xb8;
	[tilespmem:$0x1CC80] =	vst v63  }
0x34: {  	p1 =	sne.s32 s24, $0x4C00;
	s23 =	sadd.s32 $0x13900, s23  }
0x35: {  	[tilespmem:s16], [sflag:$0x2] =	stream.indirect.gather [spmem:s1], $0x80, s23, s14, $0xb8;
	[tilespmem:$0x1CC80] =	vst v63  }
0x36: {  	_ =	swait.ge [sflag:s17], $0x4000  }
0x37: {  	[sflag:s17] =	ssyncset.done $0x0  }
0x38: {  	s23 =	sadd.s32 $0xFFFFF800, s22;
	[sflag:s17] =	ssyncadd.s32 $0xFFFFC000  }
0x39: {  	[hbm4b:s23+s2] =	stream.linear.scatter [tilespmem:s15], [sflag:$0x3], $0x4000, $0x38;
	[tilespmem:$0x1CC80] =	vst v63  }
0x3a: {  	_ =	swait.ge [sflag:s18], $0x4000  }
0x3b: {  	[sflag:s18] =	ssyncset.done $0x0  }
0x3c: {  	[sflag:s18] =	ssyncadd.s32 $0xFFFFC000  }
0x3d: {  	[hbm4b:s22+s2] =	stream.linear.scatter [tilespmem:s16], [sflag:$0x4], $0x4000, $0x38;
	[tilespmem:$0x1CC80] =	vst v63  }
.Ltmp0:
0x3e: {  	_ =	swait.ge [sflag:s19], $0x4000;
	(pc) =	sbr.rel @p1 .LBB2_2-.Ltmp0, $4  }
0x3f: {  	[sflag:s19] =	ssyncset.done $0x0  }
0x40: {  	[sflag:s19] =	ssyncadd.s32 $0xFFFFC000  }
0x41: {  	s24 =	smov.u32 s28;
	_ =	swait.ge [sflag:s20], $0x4000  }
0x42: {  	s23 =	sshra.s32 s26, $0x2;
	s22 =	sadd.s32 $0x1000, s22;
	[sflag:s20] =	ssyncset.done $0x0  }
0x43: {  	s24 =	sadd.s32 $0x13880, s23;
	[sflag:s20] =	ssyncadd.s32 $0xFFFFC000  }
0x44: {  	[tilespmem:s15], [sflag:$0x1] =	stream.indirect.gather [spmem:s1], $0x80, s24, s14, $0xb8;
	[tilespmem:$0x1CC80] =	vst v63  }
0x45: {  	s30 =	sadd.s32 $0x13900, s23  }
0x46: {  	[tilespmem:s16], [sflag:$0x2] =	stream.indirect.gather [spmem:s1], $0x80, s30, s14, $0xb8;
	[tilespmem:$0x1CC80] =	vst v63  }
0x47: {  	_ =	swait.ge [sflag:s17], $0x4000  }
0x48: {  	[sflag:s17] =	ssyncset.done $0x0  }
0x49: {  	s31 =	sadd.s32 $0xFFFFF800, s22;
	[sflag:s17] =	ssyncadd.s32 $0xFFFFC000  }
0x4a: {  	[hbm4b:s31+s2] =	stream.linear.scatter [tilespmem:s15], [sflag:$0x3], $0x4000, $0x38;
	[tilespmem:$0x1CC80] =	vst v63  }
0x4b: {  	_ =	swait.ge [sflag:s18], $0x4000  }
0x4c: {  	[sflag:s18] =	ssyncset.done $0x0  }
0x4d: {  	s21 =	sadd.s32 $0x1, s21;
	[sflag:s18] =	ssyncadd.s32 $0xFFFFC000  }
0x4e: {  	[hbm4b:s22+s2] =	stream.linear.scatter [tilespmem:s16], [sflag:$0x4], $0x4000, $0x38;
	[tilespmem:$0x1CC80] =	vst v63  }
0x4f: {  	p1 =	sne.s32 s21, s7;
	_ =	swait.ge [sflag:s19], $0x4000  }
.Ltmp1:
0x50: {  	[sflag:s19] =	ssyncset.done $0x0;
	(pc) =	sbr.rel @p1 .LBB2_1-.Ltmp1, $4  }
0x51: {  	[sflag:s19] =	ssyncadd.s32 $0xFFFFC000  }
0x52: {  	_ =	swait.ge [sflag:s20], $0x4000  }
0x53: {  	[sflag:s20] =	ssyncset.done $0x0  }
0x54: {  	[sflag:s20] =	ssyncadd.s32 $0xFFFFC000  }
0x55: {  	_ =	sfence.sel $0x180000  }
0x56: {  	[bflag:$0x0] =	sbarrier.arrive $0xFFFF  }
0x57: {  	p0 =	sne.s32 s3, $0x0;
	_ =	strace $0x90000047  }
0x58: {  	s0 =	sadd.s32 @!p0 $0x100000, s0;
	[bflag:$0x2] =	sbarrier.arrive $0xFFFF  }
0x59: {  	[sflag:s0] =	ssyncadd.tile.s32 @!p0 $0x1;
	_ =	shalt  }
.Lfunc_end2:
_tile_overlayer_lowered:
.L_overlay_start_2:
0x5a: {  	(tag) =	ssettag $0x2  }
0x5b: {  	s0 =	rddreg [dreg:$0x0];
	s2 =	stileid.u32  }
0x5c: {  	s1 =	rddreg [dreg:$0x1];
	p0 =	sne.s32 s2, $0x0  }
0x5d: {  	s3 =	rddreg [dreg:$0x2];
	[bflag:$0x3] =	sbarrier.arrive $0xFFFF;
	s2 =	simm.s32 @!p0 $0x1C05  }
0x5e: {  	[timem:s3], [sflag:s2] =	dma.local @!p0 [hbm:s0], s1  }
0x5f: {  	s0 =	simm.s32 @!p0 $0x5  }
0x60: {  	_ =	swait.ge @!p0 [sflag:s0], s1  }
0x61: {  	s1 =	ssub.s32 @!p0 $0x0, s1;
	[sflag:s0] =	ssyncset.done @!p0 $0x0  }
0x62: {  	[sflag:s0] =	ssyncadd.s32 @!p0 s1  }
0x63: {  	[bflag:$0x3] =	sbarrier.arrive $0xFFFF  }
0x64: {  	_ =	shalt  }

</sc_bundles>
